<compile_context>
chip_gen: v7x
topology: tpu7x:2x2x1
jax: 0.10.2.dev20260603
libtpu: 0.0.44.dev20260713+nightly
codegen_flags: <defaults>
</compile_context>

<pallas_src>
import jax
import jax.numpy as jnp
from jax import lax
from jax.experimental import pallas as pl
from jax.experimental.pallas import tpu as pltpu
from jax.experimental.pallas import tpu_sc as plsc

_CARD = 100
_F = 26
_W = _F * _CARD
_NC = 2
_NS = 16
_NT = _NC * _NS
_L = 16
_CHUNK = 16
_XC = _CHUNK * _F
_OC = _CHUNK * _W
_BLK = 512
_N_SC = 512


def _sc_body(x_hbm, o_hbm, xv0, xv1, pos0, pos1, buf0, buf1,
             xsem0, xsem1, osem0, osem1):
    xv = (xv0, xv1)
    pos = (pos0, pos1)
    buf = (buf0, buf1)
    xsem = (xsem0, xsem1)
    osem = (osem0, osem1)

    wid = lax.axis_index("s") * _NC + lax.axis_index("c")
    nchunks = x_hbm.shape[0] // (_XC * _NT)
    base = wid * nchunks

    riota = jnp.arange(_L, dtype=jnp.int32)
    zeros = jnp.zeros((_L,), jnp.int32)
    ones = jnp.ones((_L,), jnp.int32)

    def _set_ones(b, c):
        for f in range(_F):
            col = plsc.load_gather(xv[b], [riota * _F + f])
            p = riota * _W + (f * _CARD + col)
            plsc.store_scatter(buf[b], [p], ones)
            pos[b][pl.ds(f * _L, _L)] = p

    def _clear(b):
        for f in range(_F):
            p = pos[b][pl.ds(f * _L, _L)]
            plsc.store_scatter(buf[b], [p], zeros)

    def _x_fetch(b, c):
        pltpu.async_copy(x_hbm.at[pl.ds((base + c) * _XC, _XC)], xv[b], xsem[b])

    def _x_wait(b):
        pltpu.make_async_copy(x_hbm.at[pl.ds(0, _XC)], xv[b], xsem[b]).wait()

    def _o_flush(b, c):
        pltpu.async_copy(buf[b], o_hbm.at[pl.ds((base + c) * _OC, _OC)], osem[b])

    def _o_wait(b):
        pltpu.make_async_copy(buf[b], o_hbm.at[pl.ds(0, _OC)], osem[b]).wait()

    def _memset(ref):
        def _zero_step(i, _):
            for u in range(4):
                ref[pl.ds(i * 4 * _L + u * _L, _L)] = zeros
            return 0
        lax.fori_loop(0, _OC // (4 * _L), _zero_step, 0)

    if nchunks == 1:
        _x_fetch(0, 0)
        _memset(buf0)
        _x_wait(0)
        _set_ones(0, 0)
        _o_flush(0, 0)
        _o_wait(0)
        return

    _x_fetch(0, 0)
    _x_fetch(1, 1)

    _memset(buf0)
    _x_wait(0)
    _set_ones(0, 0)
    if nchunks > 2:
        _x_fetch(0, 2)
    _o_flush(0, 0)

    _memset(buf1)
    _x_wait(1)
    _set_ones(1, 1)
    if nchunks > 3:
        _x_fetch(1, 3)
    _o_flush(1, 1)

    def _steady(k, _):
        for b in (0, 1):
            c = 2 * k + b
            _o_wait(b)
            _clear(b)
            _x_wait(b)
            _set_ones(b, c)
            _x_fetch(b, c + 2)
            _o_flush(b, c)
        return 0

    lax.fori_loop(1, nchunks // 2 - 1, _steady, 0)

    if nchunks > 2:
        for b in (0, 1):
            c = nchunks - 2 + b
            _o_wait(b)
            _clear(b)
            _x_wait(b)
            _set_ones(b, c)
            _o_flush(b, c)

    _o_wait(0)
    _o_wait(1)


def _onehot_block(x_ref, sel_ref, mod_ref, o_ref):
    xf = x_ref[...].astype(jnp.float32)
    xrep = jax.lax.dot_general(
        xf, sel_ref[...],
        dimension_numbers=(((1,), (0,)), ((), ())),
        preferred_element_type=jnp.float32,
    )
    o_ref[...] = (xrep == mod_ref[...]).astype(o_ref.dtype)


def kernel(x, cardinalities):
    del cardinalities
    n, f = x.shape
    n_tc = n - _N_SC
    out_dtype = jnp.zeros((), jnp.int64).dtype
    xi = x.astype(jnp.int32)

    sc_run = pl.kernel(
        _sc_body,
        out_type=jax.ShapeDtypeStruct((_N_SC * _W,), out_dtype),
        mesh=plsc.VectorSubcoreMesh(
            core_axis_name="c", subcore_axis_name="s",
            num_cores=_NC, num_subcores=_NS,
        ),
        scratch_types=[
            pltpu.VMEM((_XC,), jnp.int32),
            pltpu.VMEM((_XC,), jnp.int32),
            pltpu.VMEM((_F * _L,), jnp.int32),
            pltpu.VMEM((_F * _L,), jnp.int32),
            pltpu.VMEM((_OC,), jnp.int32),
            pltpu.VMEM((_OC,), jnp.int32),
            pltpu.SemaphoreType.DMA,
            pltpu.SemaphoreType.DMA,
            pltpu.SemaphoreType.DMA,
            pltpu.SemaphoreType.DMA,
        ],
        compiler_params=pltpu.CompilerParams(needs_layout_passes=False),
    )
    out_sc = sc_run(xi[n_tc:].reshape(-1)).reshape(_N_SC, _W)

    j = jnp.arange(_W, dtype=jnp.int32)
    sel = (j[None, :] // _CARD == jnp.arange(f, dtype=jnp.int32)[:, None]).astype(jnp.float32)
    mod = (j % _CARD).astype(jnp.float32)[None, :]
    out_tc = pl.pallas_call(
        _onehot_block,
        grid=(n_tc // _BLK,),
        in_specs=[
            pl.BlockSpec((_BLK, f), lambda i: (i, 0)),
            pl.BlockSpec((f, _W), lambda i: (0, 0)),
            pl.BlockSpec((1, _W), lambda i: (0, 0)),
        ],
        out_specs=pl.BlockSpec((_BLK, _W), lambda i: (i, 0)),
        out_shape=jax.ShapeDtypeStruct((n, _W), out_dtype),
    )(xi[:n_tc], sel, mod)

    return lax.dynamic_update_slice(out_tc, out_sc, (n_tc, 0))

# --- scband reference (transcript-rebuilt; emitter-appended) ---
"""Pipeline reference for scband-one-hot-encoder-54631984005439 (READ-ONLY COPY).

The authoritative reference and input builder live on the scoring server;
editing this copy changes nothing except your own understanding.
"""

import jax, jax.numpy as jnp
import numpy as np


def setup_inputs(seed: int = 0) -> dict:
    key = jax.random.key(seed)
    cardinalities = np.array([100] * 26, dtype=np.int64)
    x = jax.random.randint(key, (16384, 26), 0, 100, dtype=jnp.int64)
    return {"x": x, "cardinalities": cardinalities}


def reference(x, cardinalities):
    # Faithful translation of OneHotEncoder.forward:
    # one-hot encode each column with its own cardinality, concat on last dim.
    cardinalities = jnp.asarray(cardinalities)
    encoded_columns = []
    for column in range(x.shape[-1]):
        c = 100
        col = x[..., column]
        idx = jnp.arange(c, dtype=col.dtype)
        valid = idx < cardinalities[column].astype(col.dtype)
        # F.one_hot semantics: integer 0/1 output of width c
        oh = ((col[..., None] == idx) & valid).astype(jnp.int64)
        encoded_columns.append(oh)
    return jnp.concatenate(encoded_columns, axis=-1)

if __name__ == "__main__":
    import jax
    _d = setup_inputs()
    print(jax.jit(kernel)(*tuple(_d.values())))

</pallas_src>

<mosaic_0001>
#map = affine_map<(d0, d1) -> (0)>
module attributes {stable_mosaic.version = 14 : i64} {
  func.func @_sc_body(%arg0: i32, %arg1: i32, %arg2: memref<13312xi32, #tpu.memory_space<hbm>>, %arg3: memref<1331200xi32, #tpu.memory_space<hbm>>, %arg4: memref<416xi32, #tpu.memory_space<vmem>>, %arg5: memref<416xi32, #tpu.memory_space<vmem>>, %arg6: memref<416xi32, #tpu.memory_space<vmem>>, %arg7: memref<416xi32, #tpu.memory_space<vmem>>, %arg8: memref<41600xi32, #tpu.memory_space<vmem>>, %arg9: memref<41600xi32, #tpu.memory_space<vmem>>, %arg10: memref<!tpu.dma_semaphore, #tpu.memory_space<semaphore_mem>>, %arg11: memref<!tpu.dma_semaphore, #tpu.memory_space<semaphore_mem>>, %arg12: memref<!tpu.dma_semaphore, #tpu.memory_space<semaphore_mem>>, %arg13: memref<!tpu.dma_semaphore, #tpu.memory_space<semaphore_mem>>) attributes {dimension_semantics = [#tpu.dimension_semantics<core_parallel>, #tpu.dimension_semantics<subcore_parallel>], iteration_bounds = array<i64: 2, 16>, scalar_prefetch = 0 : i64, scratch_operands = 10 : i64, tpu.core_type = #tpu.core_type<sc_vector_subcore>, window_params = [{transform_indices = #map}, {transform_indices = #map}]} {
    %mul3A = arith.constant 2 : i32
    %mul3A_0 = arith.muli %arg1, %mul3A : i32
    %add3A = arith.addi %mul3A_0, %arg0 : i32
    %mul3A_1 = arith.constant 1 : i32
    %mul3A_2 = arith.muli %add3A, %mul3A_1 : i32
    %iota3A = tpu.iota {dimensions = array<i32: 0>} : vector<16xi32>
    %broadcast_in_dim3A = arith.constant 0 : i32
    %broadcast_in_dim3A_3 = vector.broadcast %broadcast_in_dim3A : i32 to vector<16xi32>
    %broadcast_in_dim3A_4 = arith.constant 1 : i32
    %broadcast_in_dim3A_5 = vector.broadcast %broadcast_in_dim3A_4 : i32 to vector<16xi32>
    %add3A_6 = arith.constant 0 : i32
    %add3A_7 = arith.addi %mul3A_2, %add3A_6 : i32
    %mul3A_8 = arith.constant 416 : i32
    %mul3A_9 = arith.muli %add3A_7, %mul3A_8 : i32
    %dma_start3A = tpu.memref_slice %arg2[%mul3A_9] : memref<13312xi32, #tpu.memory_space<hbm>> -> memref<416xi32, #tpu.memory_space<hbm>>
    %dma_start3A_10 = tpu.memref_slice %arg2[%mul3A_9] : memref<13312xi32, #tpu.memory_space<hbm>> -> memref<416xi32, #tpu.memory_space<hbm>>
    tpu.enqueue_dma source(%dma_start3A_10 : memref<416xi32, #tpu.memory_space<hbm>>) target(%arg4 : memref<416xi32, #tpu.memory_space<vmem>>) target_semaphore(%arg10 : memref<!tpu.dma_semaphore, #tpu.memory_space<semaphore_mem>>)
    %scan3A = arith.constant 0 : i32
    %scan3A_11 = arith.constant 0 : i32
    %scan3A_12 = arith.constant 650 : i32
    %scan3A_13 = arith.addi %scan3A_11, %scan3A_12 : i32
    %scan3A_14 = arith.constant 1 : i32
    %scan3A_15 = scf.for %scan3A_444 = %scan3A_11 to %scan3A_13 step %scan3A_14 iter_args(%scan3A_445 = %scan3A) -> (i32)  : i32 {
      %mul3A_446 = arith.constant 4 : i32
      %mul3A_447 = arith.muli %scan3A_444, %mul3A_446 : i32
      %mul3A_448 = arith.constant 16 : i32
      %mul3A_449 = arith.muli %mul3A_447, %mul3A_448 : i32
      %add3A_450 = arith.constant 0 : i32
      %add3A_451 = arith.addi %mul3A_449, %add3A_450 : i32
      %swap3A_452 = arith.index_cast %add3A_451 : i32 to index
      %swap3A_453 = tpu.vector_load %arg8[%swap3A_452] {strides = array<i32>} : memref<41600xi32, #tpu.memory_space<vmem>>, vector<16xi32>,
      tpu.vector_store %arg8[%swap3A_452], %broadcast_in_dim3A_3 {strides = array<i32>} : memref<41600xi32, #tpu.memory_space<vmem>>, vector<16xi32>,
      %mul3A_454 = arith.constant 4 : i32
      %mul3A_455 = arith.muli %scan3A_444, %mul3A_454 : i32
      %mul3A_456 = arith.constant 16 : i32
      %mul3A_457 = arith.muli %mul3A_455, %mul3A_456 : i32
      %add3A_458 = arith.constant 16 : i32
      %add3A_459 = arith.addi %mul3A_457, %add3A_458 : i32
      %swap3A_460 = arith.index_cast %add3A_459 : i32 to index
      %swap3A_461 = tpu.vector_load %arg8[%swap3A_460] {strides = array<i32>} : memref<41600xi32, #tpu.memory_space<vmem>>, vector<16xi32>,
      tpu.vector_store %arg8[%swap3A_460], %broadcast_in_dim3A_3 {strides = array<i32>} : memref<41600xi32, #tpu.memory_space<vmem>>, vector<16xi32>,
      %mul3A_462 = arith.constant 4 : i32
      %mul3A_463 = arith.muli %scan3A_444, %mul3A_462 : i32
      %mul3A_464 = arith.constant 16 : i32
      %mul3A_465 = arith.muli %mul3A_463, %mul3A_464 : i32
      %add3A_466 = arith.constant 32 : i32
      %add3A_467 = arith.addi %mul3A_465, %add3A_466 : i32
      %swap3A_468 = arith.index_cast %add3A_467 : i32 to index
      %swap3A_469 = tpu.vector_load %arg8[%swap3A_468] {strides = array<i32>} : memref<41600xi32, #tpu.memory_space<vmem>>, vector<16xi32>,
      tpu.vector_store %arg8[%swap3A_468], %broadcast_in_dim3A_3 {strides = array<i32>} : memref<41600xi32, #tpu.memory_space<vmem>>, vector<16xi32>,
      %mul3A_470 = arith.constant 4 : i32
      %mul3A_471 = arith.muli %scan3A_444, %mul3A_470 : i32
      %mul3A_472 = arith.constant 16 : i32
      %mul3A_473 = arith.muli %mul3A_471, %mul3A_472 : i32
      %add3A_474 = arith.constant 48 : i32
      %add3A_475 = arith.addi %mul3A_473, %add3A_474 : i32
      %swap3A_476 = arith.index_cast %add3A_475 : i32 to index
      %swap3A_477 = tpu.vector_load %arg8[%swap3A_476] {strides = array<i32>} : memref<41600xi32, #tpu.memory_space<vmem>>, vector<16xi32>,
      tpu.vector_store %arg8[%swap3A_476], %broadcast_in_dim3A_3 {strides = array<i32>} : memref<41600xi32, #tpu.memory_space<vmem>>, vector<16xi32>,
      %scan3A_478 = arith.constant 0 : i32
      scf.yield %scan3A_478 : i32
    }
    %scan3A_16 = arith.constant 650 : i32
    %dma_wait3A = arith.constant 0 : i32
    %dma_wait3A_17 = tpu.memref_slice %arg2[%dma_wait3A] : memref<13312xi32, #tpu.memory_space<hbm>> -> memref<416xi32, #tpu.memory_space<hbm>>
    %dma_wait3A_18 = arith.constant 0 : i32
    %dma_wait3A_19 = tpu.memref_slice %arg2[%dma_wait3A_18] : memref<13312xi32, #tpu.memory_space<hbm>> -> memref<416xi32, #tpu.memory_space<hbm>>
    tpu.wait_dma2 semaphore(%arg10 : memref<!tpu.dma_semaphore, #tpu.memory_space<semaphore_mem>>) src(%dma_wait3A_19 : memref<416xi32, #tpu.memory_space<hbm>>) dst(%arg4 : memref<416xi32, #tpu.memory_space<vmem>>)
    %mul3A_20 = arith.constant 26 : i32
    %mul3A_21 = vector.broadcast %mul3A_20 : i32 to vector<16xi32>
    %mul3A_22 = arith.muli %iota3A, %mul3A_21 : vector<16xi32>
    %add3A_23 = arith.constant 0 : i32
    %add3A_24 = vector.broadcast %add3A_23 : i32 to vector<16xi32>
    %add3A_25 = arith.addi %mul3A_22, %add3A_24 : vector<16xi32>
    %gather3A = tpu.vector_load_idx %arg4[%add3A_25] : memref<416xi32, #tpu.memory_space<vmem>>[vector<16xi32>], vector<16xi32>,
    %mul3A_26 = arith.constant 2600 : i32
    %mul3A_27 = vector.broadcast %mul3A_26 : i32 to vector<16xi32>
    %mul3A_28 = arith.muli %iota3A, %mul3A_27 : vector<16xi32>
    %add3A_29 = arith.constant 0 : i32
    %add3A_30 = vector.broadcast %add3A_29 : i32 to vector<16xi32>
    %add3A_31 = arith.addi %add3A_30, %gather3A : vector<16xi32>
    %add3A_32 = arith.addi %mul3A_28, %add3A_31 : vector<16xi32>
    tpu.vector_store_idx %arg8[%add3A_32], %broadcast_in_dim3A_5 : memref<41600xi32, #tpu.memory_space<vmem>>[vector<16xi32>], vector<16xi32>,
    %swap3A = arith.constant 0 : index
    %swap3A_33 = tpu.vector_load %arg6[%swap3A] {strides = array<i32>} : memref<416xi32, #tpu.memory_space<vmem>>, vector<16xi32>,
    tpu.vector_store %arg6[%swap3A], %add3A_32 {strides = array<i32>} : memref<416xi32, #tpu.memory_space<vmem>>, vector<16xi32>,
    %mul3A_34 = arith.constant 26 : i32
    %mul3A_35 = vector.broadcast %mul3A_34 : i32 to vector<16xi32>
    %mul3A_36 = arith.muli %iota3A, %mul3A_35 : vector<16xi32>
    %add3A_37 = arith.constant 1 : i32
    %add3A_38 = vector.broadcast %add3A_37 : i32 to vector<16xi32>
    %add3A_39 = arith.addi %mul3A_36, %add3A_38 : vector<16xi32>
    %gather3A_40 = tpu.vector_load_idx %arg4[%add3A_39] : memref<416xi32, #tpu.memory_space<vmem>>[vector<16xi32>], vector<16xi32>,
    %mul3A_41 = arith.constant 2600 : i32
    %mul3A_42 = vector.broadcast %mul3A_41 : i32 to vector<16xi32>
    %mul3A_43 = arith.muli %iota3A, %mul3A_42 : vector<16xi32>
    %add3A_44 = arith.constant 100 : i32
    %add3A_45 = vector.broadcast %add3A_44 : i32 to vector<16xi32>
    %add3A_46 = arith.addi %add3A_45, %gather3A_40 : vector<16xi32>
    %add3A_47 = arith.addi %mul3A_43, %add3A_46 : vector<16xi32>
    tpu.vector_store_idx %arg8[%add3A_47], %broadcast_in_dim3A_5 : memref<41600xi32, #tpu.memory_space<vmem>>[vector<16xi32>], vector<16xi32>,
    %swap3A_48 = arith.constant 16 : index
    %swap3A_49 = tpu.vector_load %arg6[%swap3A_48] {strides = array<i32>} : memref<416xi32, #tpu.memory_space<vmem>>, vector<16xi32>,
    tpu.vector_store %arg6[%swap3A_48], %add3A_47 {strides = array<i32>} : memref<416xi32, #tpu.memory_space<vmem>>, vector<16xi32>,
    %mul3A_50 = arith.constant 26 : i32
    %mul3A_51 = vector.broadcast %mul3A_50 : i32 to vector<16xi32>
    %mul3A_52 = arith.muli %iota3A, %mul3A_51 : vector<16xi32>
    %add3A_53 = arith.constant 2 : i32
    %add3A_54 = vector.broadcast %add3A_53 : i32 to vector<16xi32>
    %add3A_55 = arith.addi %mul3A_52, %add3A_54 : vector<16xi32>
    %gather3A_56 = tpu.vector_load_idx %arg4[%add3A_55] : memref<416xi32, #tpu.memory_space<vmem>>[vector<16xi32>], vector<16xi32>,
    %mul3A_57 = arith.constant 2600 : i32
    %mul3A_58 = vector.broadcast %mul3A_57 : i32 to vector<16xi32>
    %mul3A_59 = arith.muli %iota3A, %mul3A_58 : vector<16xi32>
    %add3A_60 = arith.constant 200 : i32
    %add3A_61 = vector.broadcast %add3A_60 : i32 to vector<16xi32>
    %add3A_62 = arith.addi %add3A_61, %gather3A_56 : vector<16xi32>
    %add3A_63 = arith.addi %mul3A_59, %add3A_62 : vector<16xi32>
    tpu.vector_store_idx %arg8[%add3A_63], %broadcast_in_dim3A_5 : memref<41600xi32, #tpu.memory_space<vmem>>[vector<16xi32>], vector<16xi32>,
    %swap3A_64 = arith.constant 32 : index
    %swap3A_65 = tpu.vector_load %arg6[%swap3A_64] {strides = array<i32>} : memref<416xi32, #tpu.memory_space<vmem>>, vector<16xi32>,
    tpu.vector_store %arg6[%swap3A_64], %add3A_63 {strides = array<i32>} : memref<416xi32, #tpu.memory_space<vmem>>, vector<16xi32>,
    %mul3A_66 = arith.constant 26 : i32
    %mul3A_67 = vector.broadcast %mul3A_66 : i32 to vector<16xi32>
    %mul3A_68 = arith.muli %iota3A, %mul3A_67 : vector<16xi32>
    %add3A_69 = arith.constant 3 : i32
    %add3A_70 = vector.broadcast %add3A_69 : i32 to vector<16xi32>
    %add3A_71 = arith.addi %mul3A_68, %add3A_70 : vector<16xi32>
    %gather3A_72 = tpu.vector_load_idx %arg4[%add3A_71] : memref<416xi32, #tpu.memory_space<vmem>>[vector<16xi32>], vector<16xi32>,
    %mul3A_73 = arith.constant 2600 : i32
    %mul3A_74 = vector.broadcast %mul3A_73 : i32 to vector<16xi32>
    %mul3A_75 = arith.muli %iota3A, %mul3A_74 : vector<16xi32>
    %add3A_76 = arith.constant 300 : i32
    %add3A_77 = vector.broadcast %add3A_76 : i32 to vector<16xi32>
    %add3A_78 = arith.addi %add3A_77, %gather3A_72 : vector<16xi32>
    %add3A_79 = arith.addi %mul3A_75, %add3A_78 : vector<16xi32>
    tpu.vector_store_idx %arg8[%add3A_79], %broadcast_in_dim3A_5 : memref<41600xi32, #tpu.memory_space<vmem>>[vector<16xi32>], vector<16xi32>,
    %swap3A_80 = arith.constant 48 : index
    %swap3A_81 = tpu.vector_load %arg6[%swap3A_80] {strides = array<i32>} : memref<416xi32, #tpu.memory_space<vmem>>, vector<16xi32>,
    tpu.vector_store %arg6[%swap3A_80], %add3A_79 {strides = array<i32>} : memref<416xi32, #tpu.memory_space<vmem>>, vector<16xi32>,
    %mul3A_82 = arith.constant 26 : i32
    %mul3A_83 = vector.broadcast %mul3A_82 : i32 to vector<16xi32>
    %mul3A_84 = arith.muli %iota3A, %mul3A_83 : vector<16xi32>
    %add3A_85 = arith.constant 4 : i32
    %add3A_86 = vector.broadcast %add3A_85 : i32 to vector<16xi32>
    %add3A_87 = arith.addi %mul3A_84, %add3A_86 : vector<16xi32>
    %gather3A_88 = tpu.vector_load_idx %arg4[%add3A_87] : memref<416xi32, #tpu.memory_space<vmem>>[vector<16xi32>], vector<16xi32>,
    %mul3A_89 = arith.constant 2600 : i32
    %mul3A_90 = vector.broadcast %mul3A_89 : i32 to vector<16xi32>
    %mul3A_91 = arith.muli %iota3A, %mul3A_90 : vector<16xi32>
    %add3A_92 = arith.constant 400 : i32
    %add3A_93 = vector.broadcast %add3A_92 : i32 to vector<16xi32>
    %add3A_94 = arith.addi %add3A_93, %gather3A_88 : vector<16xi32>
    %add3A_95 = arith.addi %mul3A_91, %add3A_94 : vector<16xi32>
    tpu.vector_store_idx %arg8[%add3A_95], %broadcast_in_dim3A_5 : memref<41600xi32, #tpu.memory_space<vmem>>[vector<16xi32>], vector<16xi32>,
    %swap3A_96 = arith.constant 64 : index
    %swap3A_97 = tpu.vector_load %arg6[%swap3A_96] {strides = array<i32>} : memref<416xi32, #tpu.memory_space<vmem>>, vector<16xi32>,
    tpu.vector_store %arg6[%swap3A_96], %add3A_95 {strides = array<i32>} : memref<416xi32, #tpu.memory_space<vmem>>, vector<16xi32>,
    %mul3A_98 = arith.constant 26 : i32
    %mul3A_99 = vector.broadcast %mul3A_98 : i32 to vector<16xi32>
    %mul3A_100 = arith.muli %iota3A, %mul3A_99 : vector<16xi32>
    %add3A_101 = arith.constant 5 : i32
    %add3A_102 = vector.broadcast %add3A_101 : i32 to vector<16xi32>
    %add3A_103 = arith.addi %mul3A_100, %add3A_102 : vector<16xi32>
    %gather3A_104 = tpu.vector_load_idx %arg4[%add3A_103] : memref<416xi32, #tpu.memory_space<vmem>>[vector<16xi32>], vector<16xi32>,
    %mul3A_105 = arith.constant 2600 : i32
    %mul3A_106 = vector.broadcast %mul3A_105 : i32 to vector<16xi32>
    %mul3A_107 = arith.muli %iota3A, %mul3A_106 : vector<16xi32>
    %add3A_108 = arith.constant 500 : i32
    %add3A_109 = vector.broadcast %add3A_108 : i32 to vector<16xi32>
    %add3A_110 = arith.addi %add3A_109, %gather3A_104 : vector<16xi32>
    %add3A_111 = arith.addi %mul3A_107, %add3A_110 : vector<16xi32>
    tpu.vector_store_idx %arg8[%add3A_111], %broadcast_in_dim3A_5 : memref<41600xi32, #tpu.memory_space<vmem>>[vector<16xi32>], vector<16xi32>,
    %swap3A_112 = arith.constant 80 : index
    %swap3A_113 = tpu.vector_load %arg6[%swap3A_112] {strides = array<i32>} : memref<416xi32, #tpu.memory_space<vmem>>, vector<16xi32>,
    tpu.vector_store %arg6[%swap3A_112], %add3A_111 {strides = array<i32>} : memref<416xi32, #tpu.memory_space<vmem>>, vector<16xi32>,
    %mul3A_114 = arith.constant 26 : i32
    %mul3A_115 = vector.broadcast %mul3A_114 : i32 to vector<16xi32>
    %mul3A_116 = arith.muli %iota3A, %mul3A_115 : vector<16xi32>
    %add3A_117 = arith.constant 6 : i32
    %add3A_118 = vector.broadcast %add3A_117 : i32 to vector<16xi32>
    %add3A_119 = arith.addi %mul3A_116, %add3A_118 : vector<16xi32>
    %gather3A_120 = tpu.vector_load_idx %arg4[%add3A_119] : memref<416xi32, #tpu.memory_space<vmem>>[vector<16xi32>], vector<16xi32>,
    %mul3A_121 = arith.constant 2600 : i32
    %mul3A_122 = vector.broadcast %mul3A_121 : i32 to vector<16xi32>
    %mul3A_123 = arith.muli %iota3A, %mul3A_122 : vector<16xi32>
    %add3A_124 = arith.constant 600 : i32
    %add3A_125 = vector.broadcast %add3A_124 : i32 to vector<16xi32>
    %add3A_126 = arith.addi %add3A_125, %gather3A_120 : vector<16xi32>
    %add3A_127 = arith.addi %mul3A_123, %add3A_126 : vector<16xi32>
    tpu.vector_store_idx %arg8[%add3A_127], %broadcast_in_dim3A_5 : memref<41600xi32, #tpu.memory_space<vmem>>[vector<16xi32>], vector<16xi32>,
    %swap3A_128 = arith.constant 96 : index
    %swap3A_129 = tpu.vector_load %arg6[%swap3A_128] {strides = array<i32>} : memref<416xi32, #tpu.memory_space<vmem>>, vector<16xi32>,
    tpu.vector_store %arg6[%swap3A_128], %add3A_127 {strides = array<i32>} : memref<416xi32, #tpu.memory_space<vmem>>, vector<16xi32>,
    %mul3A_130 = arith.constant 26 : i32
    %mul3A_131 = vector.broadcast %mul3A_130 : i32 to vector<16xi32>
    %mul3A_132 = arith.muli %iota3A, %mul3A_131 : vector<16xi32>
    %add3A_133 = arith.constant 7 : i32
    %add3A_134 = vector.broadcast %add3A_133 : i32 to vector<16xi32>
    %add3A_135 = arith.addi %mul3A_132, %add3A_134 : vector<16xi32>
    %gather3A_136 = tpu.vector_load_idx %arg4[%add3A_135] : memref<416xi32, #tpu.memory_space<vmem>>[vector<16xi32>], vector<16xi32>,
    %mul3A_137 = arith.constant 2600 : i32
    %mul3A_138 = vector.broadcast %mul3A_137 : i32 to vector<16xi32>
    %mul3A_139 = arith.muli %iota3A, %mul3A_138 : vector<16xi32>
    %add3A_140 = arith.constant 700 : i32
    %add3A_141 = vector.broadcast %add3A_140 : i32 to vector<16xi32>
    %add3A_142 = arith.addi %add3A_141, %gather3A_136 : vector<16xi32>
    %add3A_143 = arith.addi %mul3A_139, %add3A_142 : vector<16xi32>
    tpu.vector_store_idx %arg8[%add3A_143], %broadcast_in_dim3A_5 : memref<41600xi32, #tpu.memory_space<vmem>>[vector<16xi32>], vector<16xi32>,
    %swap3A_144 = arith.constant 112 : index
    %swap3A_145 = tpu.vector_load %arg6[%swap3A_144] {strides = array<i32>} : memref<416xi32, #tpu.memory_space<vmem>>, vector<16xi32>,
    tpu.vector_store %arg6[%swap3A_144], %add3A_143 {strides = array<i32>} : memref<416xi32, #tpu.memory_space<vmem>>, vector<16xi32>,
    %mul3A_146 = arith.constant 26 : i32
    %mul3A_147 = vector.broadcast %mul3A_146 : i32 to vector<16xi32>
    %mul3A_148 = arith.muli %iota3A, %mul3A_147 : vector<16xi32>
    %add3A_149 = arith.constant 8 : i32
    %add3A_150 = vector.broadcast %add3A_149 : i32 to vector<16xi32>
    %add3A_151 = arith.addi %mul3A_148, %add3A_150 : vector<16xi32>
    %gather3A_152 = tpu.vector_load_idx %arg4[%add3A_151] : memref<416xi32, #tpu.memory_space<vmem>>[vector<16xi32>], vector<16xi32>,
    %mul3A_153 = arith.constant 2600 : i32
    %mul3A_154 = vector.broadcast %mul3A_153 : i32 to vector<16xi32>
    %mul3A_155 = arith.muli %iota3A, %mul3A_154 : vector<16xi32>
    %add3A_156 = arith.constant 800 : i32
    %add3A_157 = vector.broadcast %add3A_156 : i32 to vector<16xi32>
    %add3A_158 = arith.addi %add3A_157, %gather3A_152 : vector<16xi32>
    %add3A_159 = arith.addi %mul3A_155, %add3A_158 : vector<16xi32>
    tpu.vector_store_idx %arg8[%add3A_159], %broadcast_in_dim3A_5 : memref<41600xi32, #tpu.memory_space<vmem>>[vector<16xi32>], vector<16xi32>,
    %swap3A_160 = arith.constant 128 : index
    %swap3A_161 = tpu.vector_load %arg6[%swap3A_160] {strides = array<i32>} : memref<416xi32, #tpu.memory_space<vmem>>, vector<16xi32>,
    tpu.vector_store %arg6[%swap3A_160], %add3A_159 {strides = array<i32>} : memref<416xi32, #tpu.memory_space<vmem>>, vector<16xi32>,
    %mul3A_162 = arith.constant 26 : i32
    %mul3A_163 = vector.broadcast %mul3A_162 : i32 to vector<16xi32>
    %mul3A_164 = arith.muli %iota3A, %mul3A_163 : vector<16xi32>
    %add3A_165 = arith.constant 9 : i32
    %add3A_166 = vector.broadcast %add3A_165 : i32 to vector<16xi32>
    %add3A_167 = arith.addi %mul3A_164, %add3A_166 : vector<16xi32>
    %gather3A_168 = tpu.vector_load_idx %arg4[%add3A_167] : memref<416xi32, #tpu.memory_space<vmem>>[vector<16xi32>], vector<16xi32>,
    %mul3A_169 = arith.constant 2600 : i32
    %mul3A_170 = vector.broadcast %mul3A_169 : i32 to vector<16xi32>
    %mul3A_171 = arith.muli %iota3A, %mul3A_170 : vector<16xi32>
    %add3A_172 = arith.constant 900 : i32
    %add3A_173 = vector.broadcast %add3A_172 : i32 to vector<16xi32>
    %add3A_174 = arith.addi %add3A_173, %gather3A_168 : vector<16xi32>
    %add3A_175 = arith.addi %mul3A_171, %add3A_174 : vector<16xi32>
    tpu.vector_store_idx %arg8[%add3A_175], %broadcast_in_dim3A_5 : memref<41600xi32, #tpu.memory_space<vmem>>[vector<16xi32>], vector<16xi32>,
    %swap3A_176 = arith.constant 144 : index
    %swap3A_177 = tpu.vector_load %arg6[%swap3A_176] {strides = array<i32>} : memref<416xi32, #tpu.memory_space<vmem>>, vector<16xi32>,
    tpu.vector_store %arg6[%swap3A_176], %add3A_175 {strides = array<i32>} : memref<416xi32, #tpu.memory_space<vmem>>, vector<16xi32>,
    %mul3A_178 = arith.constant 26 : i32
    %mul3A_179 = vector.broadcast %mul3A_178 : i32 to vector<16xi32>
    %mul3A_180 = arith.muli %iota3A, %mul3A_179 : vector<16xi32>
    %add3A_181 = arith.constant 10 : i32
    %add3A_182 = vector.broadcast %add3A_181 : i32 to vector<16xi32>
    %add3A_183 = arith.addi %mul3A_180, %add3A_182 : vector<16xi32>
    %gather3A_184 = tpu.vector_load_idx %arg4[%add3A_183] : memref<416xi32, #tpu.memory_space<vmem>>[vector<16xi32>], vector<16xi32>,
    %mul3A_185 = arith.constant 2600 : i32
    %mul3A_186 = vector.broadcast %mul3A_185 : i32 to vector<16xi32>
    %mul3A_187 = arith.muli %iota3A, %mul3A_186 : vector<16xi32>
    %add3A_188 = arith.constant 1000 : i32
    %add3A_189 = vector.broadcast %add3A_188 : i32 to vector<16xi32>
    %add3A_190 = arith.addi %add3A_189, %gather3A_184 : vector<16xi32>
    %add3A_191 = arith.addi %mul3A_187, %add3A_190 : vector<16xi32>
    tpu.vector_store_idx %arg8[%add3A_191], %broadcast_in_dim3A_5 : memref<41600xi32, #tpu.memory_space<vmem>>[vector<16xi32>], vector<16xi32>,
    %swap3A_192 = arith.constant 160 : index
    %swap3A_193 = tpu.vector_load %arg6[%swap3A_192] {strides = array<i32>} : memref<416xi32, #tpu.memory_space<vmem>>, vector<16xi32>,
    tpu.vector_store %arg6[%swap3A_192], %add3A_191 {strides = array<i32>} : memref<416xi32, #tpu.memory_space<vmem>>, vector<16xi32>,
    %mul3A_194 = arith.constant 26 : i32
    %mul3A_195 = vector.broadcast %mul3A_194 : i32 to vector<16xi32>
    %mul3A_196 = arith.muli %iota3A, %mul3A_195 : vector<16xi32>
    %add3A_197 = arith.constant 11 : i32
    %add3A_198 = vector.broadcast %add3A_197 : i32 to vector<16xi32>
    %add3A_199 = arith.addi %mul3A_196, %add3A_198 : vector<16xi32>
    %gather3A_200 = tpu.vector_load_idx %arg4[%add3A_199] : memref<416xi32, #tpu.memory_space<vmem>>[vector<16xi32>], vector<16xi32>,
    %mul3A_201 = arith.constant 2600 : i32
    %mul3A_202 = vector.broadcast %mul3A_201 : i32 to vector<16xi32>
    %mul3A_203 = arith.muli %iota3A, %mul3A_202 : vector<16xi32>
    %add3A_204 = arith.constant 1100 : i32
    %add3A_205 = vector.broadcast %add3A_204 : i32 to vector<16xi32>
    %add3A_206 = arith.addi %add3A_205, %gather3A_200 : vector<16xi32>
    %add3A_207 = arith.addi %mul3A_203, %add3A_206 : vector<16xi32>
    tpu.vector_store_idx %arg8[%add3A_207], %broadcast_in_dim3A_5 : memref<41600xi32, #tpu.memory_space<vmem>>[vector<16xi32>], vector<16xi32>,
    %swap3A_208 = arith.constant 176 : index
    %swap3A_209 = tpu.vector_load %arg6[%swap3A_208] {strides = array<i32>} : memref<416xi32, #tpu.memory_space<vmem>>, vector<16xi32>,
    tpu.vector_store %arg6[%swap3A_208], %add3A_207 {strides = array<i32>} : memref<416xi32, #tpu.memory_space<vmem>>, vector<16xi32>,
    %mul3A_210 = arith.constant 26 : i32
    %mul3A_211 = vector.broadcast %mul3A_210 : i32 to vector<16xi32>
    %mul3A_212 = arith.muli %iota3A, %mul3A_211 : vector<16xi32>
    %add3A_213 = arith.constant 12 : i32
    %add3A_214 = vector.broadcast %add3A_213 : i32 to vector<16xi32>
    %add3A_215 = arith.addi %mul3A_212, %add3A_214 : vector<16xi32>
    %gather3A_216 = tpu.vector_load_idx %arg4[%add3A_215] : memref<416xi32, #tpu.memory_space<vmem>>[vector<16xi32>], vector<16xi32>,
    %mul3A_217 = arith.constant 2600 : i32
    %mul3A_218 = vector.broadcast %mul3A_217 : i32 to vector<16xi32>
    %mul3A_219 = arith.muli %iota3A, %mul3A_218 : vector<16xi32>
    %add3A_220 = arith.constant 1200 : i32
    %add3A_221 = vector.broadcast %add3A_220 : i32 to vector<16xi32>
    %add3A_222 = arith.addi %add3A_221, %gather3A_216 : vector<16xi32>
    %add3A_223 = arith.addi %mul3A_219, %add3A_222 : vector<16xi32>
    tpu.vector_store_idx %arg8[%add3A_223], %broadcast_in_dim3A_5 : memref<41600xi32, #tpu.memory_space<vmem>>[vector<16xi32>], vector<16xi32>,
    %swap3A_224 = arith.constant 192 : index
    %swap3A_225 = tpu.vector_load %arg6[%swap3A_224] {strides = array<i32>} : memref<416xi32, #tpu.memory_space<vmem>>, vector<16xi32>,
    tpu.vector_store %arg6[%swap3A_224], %add3A_223 {strides = array<i32>} : memref<416xi32, #tpu.memory_space<vmem>>, vector<16xi32>,
    %mul3A_226 = arith.constant 26 : i32
    %mul3A_227 = vector.broadcast %mul3A_226 : i32 to vector<16xi32>
    %mul3A_228 = arith.muli %iota3A, %mul3A_227 : vector<16xi32>
    %add3A_229 = arith.constant 13 : i32
    %add3A_230 = vector.broadcast %add3A_229 : i32 to vector<16xi32>
    %add3A_231 = arith.addi %mul3A_228, %add3A_230 : vector<16xi32>
    %gather3A_232 = tpu.vector_load_idx %arg4[%add3A_231] : memref<416xi32, #tpu.memory_space<vmem>>[vector<16xi32>], vector<16xi32>,
    %mul3A_233 = arith.constant 2600 : i32
    %mul3A_234 = vector.broadcast %mul3A_233 : i32 to vector<16xi32>
    %mul3A_235 = arith.muli %iota3A, %mul3A_234 : vector<16xi32>
    %add3A_236 = arith.constant 1300 : i32
    %add3A_237 = vector.broadcast %add3A_236 : i32 to vector<16xi32>
    %add3A_238 = arith.addi %add3A_237, %gather3A_232 : vector<16xi32>
    %add3A_239 = arith.addi %mul3A_235, %add3A_238 : vector<16xi32>
    tpu.vector_store_idx %arg8[%add3A_239], %broadcast_in_dim3A_5 : memref<41600xi32, #tpu.memory_space<vmem>>[vector<16xi32>], vector<16xi32>,
    %swap3A_240 = arith.constant 208 : index
    %swap3A_241 = tpu.vector_load %arg6[%swap3A_240] {strides = array<i32>} : memref<416xi32, #tpu.memory_space<vmem>>, vector<16xi32>,
    tpu.vector_store %arg6[%swap3A_240], %add3A_239 {strides = array<i32>} : memref<416xi32, #tpu.memory_space<vmem>>, vector<16xi32>,
    %mul3A_242 = arith.constant 26 : i32
    %mul3A_243 = vector.broadcast %mul3A_242 : i32 to vector<16xi32>
    %mul3A_244 = arith.muli %iota3A, %mul3A_243 : vector<16xi32>
    %add3A_245 = arith.constant 14 : i32
    %add3A_246 = vector.broadcast %add3A_245 : i32 to vector<16xi32>
    %add3A_247 = arith.addi %mul3A_244, %add3A_246 : vector<16xi32>
    %gather3A_248 = tpu.vector_load_idx %arg4[%add3A_247] : memref<416xi32, #tpu.memory_space<vmem>>[vector<16xi32>], vector<16xi32>,
    %mul3A_249 = arith.constant 2600 : i32
    %mul3A_250 = vector.broadcast %mul3A_249 : i32 to vector<16xi32>
    %mul3A_251 = arith.muli %iota3A, %mul3A_250 : vector<16xi32>
    %add3A_252 = arith.constant 1400 : i32
    %add3A_253 = vector.broadcast %add3A_252 : i32 to vector<16xi32>
    %add3A_254 = arith.addi %add3A_253, %gather3A_248 : vector<16xi32>
    %add3A_255 = arith.addi %mul3A_251, %add3A_254 : vector<16xi32>
    tpu.vector_store_idx %arg8[%add3A_255], %broadcast_in_dim3A_5 : memref<41600xi32, #tpu.memory_space<vmem>>[vector<16xi32>], vector<16xi32>,
    %swap3A_256 = arith.constant 224 : index
    %swap3A_257 = tpu.vector_load %arg6[%swap3A_256] {strides = array<i32>} : memref<416xi32, #tpu.memory_space<vmem>>, vector<16xi32>,
    tpu.vector_store %arg6[%swap3A_256], %add3A_255 {strides = array<i32>} : memref<416xi32, #tpu.memory_space<vmem>>, vector<16xi32>,
    %mul3A_258 = arith.constant 26 : i32
    %mul3A_259 = vector.broadcast %mul3A_258 : i32 to vector<16xi32>
    %mul3A_260 = arith.muli %iota3A, %mul3A_259 : vector<16xi32>
    %add3A_261 = arith.constant 15 : i32
    %add3A_262 = vector.broadcast %add3A_261 : i32 to vector<16xi32>
    %add3A_263 = arith.addi %mul3A_260, %add3A_262 : vector<16xi32>
    %gather3A_264 = tpu.vector_load_idx %arg4[%add3A_263] : memref<416xi32, #tpu.memory_space<vmem>>[vector<16xi32>], vector<16xi32>,
    %mul3A_265 = arith.constant 2600 : i32
    %mul3A_266 = vector.broadcast %mul3A_265 : i32 to vector<16xi32>
    %mul3A_267 = arith.muli %iota3A, %mul3A_266 : vector<16xi32>
    %add3A_268 = arith.constant 1500 : i32
    %add3A_269 = vector.broadcast %add3A_268 : i32 to vector<16xi32>
    %add3A_270 = arith.addi %add3A_269, %gather3A_264 : vector<16xi32>
    %add3A_271 = arith.addi %mul3A_267, %add3A_270 : vector<16xi32>
    tpu.vector_store_idx %arg8[%add3A_271], %broadcast_in_dim3A_5 : memref<41600xi32, #tpu.memory_space<vmem>>[vector<16xi32>], vector<16xi32>,
    %swap3A_272 = arith.constant 240 : index
    %swap3A_273 = tpu.vector_load %arg6[%swap3A_272] {strides = array<i32>} : memref<416xi32, #tpu.memory_space<vmem>>, vector<16xi32>,
    tpu.vector_store %arg6[%swap3A_272], %add3A_271 {strides = array<i32>} : memref<416xi32, #tpu.memory_space<vmem>>, vector<16xi32>,
    %mul3A_274 = arith.constant 26 : i32
    %mul3A_275 = vector.broadcast %mul3A_274 : i32 to vector<16xi32>
    %mul3A_276 = arith.muli %iota3A, %mul3A_275 : vector<16xi32>
    %add3A_277 = arith.constant 16 : i32
    %add3A_278 = vector.broadcast %add3A_277 : i32 to vector<16xi32>
    %add3A_279 = arith.addi %mul3A_276, %add3A_278 : vector<16xi32>
    %gather3A_280 = tpu.vector_load_idx %arg4[%add3A_279] : memref<416xi32, #tpu.memory_space<vmem>>[vector<16xi32>], vector<16xi32>,
    %mul3A_281 = arith.constant 2600 : i32
    %mul3A_282 = vector.broadcast %mul3A_281 : i32 to vector<16xi32>
    %mul3A_283 = arith.muli %iota3A, %mul3A_282 : vector<16xi32>
    %add3A_284 = arith.constant 1600 : i32
    %add3A_285 = vector.broadcast %add3A_284 : i32 to vector<16xi32>
    %add3A_286 = arith.addi %add3A_285, %gather3A_280 : vector<16xi32>
    %add3A_287 = arith.addi %mul3A_283, %add3A_286 : vector<16xi32>
    tpu.vector_store_idx %arg8[%add3A_287], %broadcast_in_dim3A_5 : memref<41600xi32, #tpu.memory_space<vmem>>[vector<16xi32>], vector<16xi32>,
    %swap3A_288 = arith.constant 256 : index
    %swap3A_289 = tpu.vector_load %arg6[%swap3A_288] {strides = array<i32>} : memref<416xi32, #tpu.memory_space<vmem>>, vector<16xi32>,
    tpu.vector_store %arg6[%swap3A_288], %add3A_287 {strides = array<i32>} : memref<416xi32, #tpu.memory_space<vmem>>, vector<16xi32>,
    %mul3A_290 = arith.constant 26 : i32
    %mul3A_291 = vector.broadcast %mul3A_290 : i32 to vector<16xi32>
    %mul3A_292 = arith.muli %iota3A, %mul3A_291 : vector<16xi32>
    %add3A_293 = arith.constant 17 : i32
    %add3A_294 = vector.broadcast %add3A_293 : i32 to vector<16xi32>
    %add3A_295 = arith.addi %mul3A_292, %add3A_294 : vector<16xi32>
    %gather3A_296 = tpu.vector_load_idx %arg4[%add3A_295] : memref<416xi32, #tpu.memory_space<vmem>>[vector<16xi32>], vector<16xi32>,
    %mul3A_297 = arith.constant 2600 : i32
    %mul3A_298 = vector.broadcast %mul3A_297 : i32 to vector<16xi32>
    %mul3A_299 = arith.muli %iota3A, %mul3A_298 : vector<16xi32>
    %add3A_300 = arith.constant 1700 : i32
    %add3A_301 = vector.broadcast %add3A_300 : i32 to vector<16xi32>
    %add3A_302 = arith.addi %add3A_301, %gather3A_296 : vector<16xi32>
    %add3A_303 = arith.addi %mul3A_299, %add3A_302 : vector<16xi32>
    tpu.vector_store_idx %arg8[%add3A_303], %broadcast_in_dim3A_5 : memref<41600xi32, #tpu.memory_space<vmem>>[vector<16xi32>], vector<16xi32>,
    %swap3A_304 = arith.constant 272 : index
    %swap3A_305 = tpu.vector_load %arg6[%swap3A_304] {strides = array<i32>} : memref<416xi32, #tpu.memory_space<vmem>>, vector<16xi32>,
    tpu.vector_store %arg6[%swap3A_304], %add3A_303 {strides = array<i32>} : memref<416xi32, #tpu.memory_space<vmem>>, vector<16xi32>,
    %mul3A_306 = arith.constant 26 : i32
    %mul3A_307 = vector.broadcast %mul3A_306 : i32 to vector<16xi32>
    %mul3A_308 = arith.muli %iota3A, %mul3A_307 : vector<16xi32>
    %add3A_309 = arith.constant 18 : i32
    %add3A_310 = vector.broadcast %add3A_309 : i32 to vector<16xi32>
    %add3A_311 = arith.addi %mul3A_308, %add3A_310 : vector<16xi32>
    %gather3A_312 = tpu.vector_load_idx %arg4[%add3A_311] : memref<416xi32, #tpu.memory_space<vmem>>[vector<16xi32>], vector<16xi32>,
    %mul3A_313 = arith.constant 2600 : i32
    %mul3A_314 = vector.broadcast %mul3A_313 : i32 to vector<16xi32>
    %mul3A_315 = arith.muli %iota3A, %mul3A_314 : vector<16xi32>
    %add3A_316 = arith.constant 1800 : i32
    %add3A_317 = vector.broadcast %add3A_316 : i32 to vector<16xi32>
    %add3A_318 = arith.addi %add3A_317, %gather3A_312 : vector<16xi32>
    %add3A_319 = arith.addi %mul3A_315, %add3A_318 : vector<16xi32>
    tpu.vector_store_idx %arg8[%add3A_319], %broadcast_in_dim3A_5 : memref<41600xi32, #tpu.memory_space<vmem>>[vector<16xi32>], vector<16xi32>,
    %swap3A_320 = arith.constant 288 : index
    %swap3A_321 = tpu.vector_load %arg6[%swap3A_320] {strides = array<i32>} : memref<416xi32, #tpu.memory_space<vmem>>, vector<16xi32>,
    tpu.vector_store %arg6[%swap3A_320], %add3A_319 {strides = array<i32>} : memref<416xi32, #tpu.memory_space<vmem>>, vector<16xi32>,
    %mul3A_322 = arith.constant 26 : i32
    %mul3A_323 = vector.broadcast %mul3A_322 : i32 to vector<16xi32>
    %mul3A_324 = arith.muli %iota3A, %mul3A_323 : vector<16xi32>
    %add3A_325 = arith.constant 19 : i32
    %add3A_326 = vector.broadcast %add3A_325 : i32 to vector<16xi32>
    %add3A_327 = arith.addi %mul3A_324, %add3A_326 : vector<16xi32>
    %gather3A_328 = tpu.vector_load_idx %arg4[%add3A_327] : memref<416xi32, #tpu.memory_space<vmem>>[vector<16xi32>], vector<16xi32>,
    %mul3A_329 = arith.constant 2600 : i32
    %mul3A_330 = vector.broadcast %mul3A_329 : i32 to vector<16xi32>
    %mul3A_331 = arith.muli %iota3A, %mul3A_330 : vector<16xi32>
    %add3A_332 = arith.constant 1900 : i32
    %add3A_333 = vector.broadcast %add3A_332 : i32 to vector<16xi32>
    %add3A_334 = arith.addi %add3A_333, %gather3A_328 : vector<16xi32>
    %add3A_335 = arith.addi %mul3A_331, %add3A_334 : vector<16xi32>
    tpu.vector_store_idx %arg8[%add3A_335], %broadcast_in_dim3A_5 : memref<41600xi32, #tpu.memory_space<vmem>>[vector<16xi32>], vector<16xi32>,
    %swap3A_336 = arith.constant 304 : index
    %swap3A_337 = tpu.vector_load %arg6[%swap3A_336] {strides = array<i32>} : memref<416xi32, #tpu.memory_space<vmem>>, vector<16xi32>,
    tpu.vector_store %arg6[%swap3A_336], %add3A_335 {strides = array<i32>} : memref<416xi32, #tpu.memory_space<vmem>>, vector<16xi32>,
    %mul3A_338 = arith.constant 26 : i32
    %mul3A_339 = vector.broadcast %mul3A_338 : i32 to vector<16xi32>
    %mul3A_340 = arith.muli %iota3A, %mul3A_339 : vector<16xi32>
    %add3A_341 = arith.constant 20 : i32
    %add3A_342 = vector.broadcast %add3A_341 : i32 to vector<16xi32>
    %add3A_343 = arith.addi %mul3A_340, %add3A_342 : vector<16xi32>
    %gather3A_344 = tpu.vector_load_idx %arg4[%add3A_343] : memref<416xi32, #tpu.memory_space<vmem>>[vector<16xi32>], vector<16xi32>,
    %mul3A_345 = arith.constant 2600 : i32
    %mul3A_346 = vector.broadcast %mul3A_345 : i32 to vector<16xi32>
    %mul3A_347 = arith.muli %iota3A, %mul3A_346 : vector<16xi32>
    %add3A_348 = arith.constant 2000 : i32
    %add3A_349 = vector.broadcast %add3A_348 : i32 to vector<16xi32>
    %add3A_350 = arith.addi %add3A_349, %gather3A_344 : vector<16xi32>
    %add3A_351 = arith.addi %mul3A_347, %add3A_350 : vector<16xi32>
    tpu.vector_store_idx %arg8[%add3A_351], %broadcast_in_dim3A_5 : memref<41600xi32, #tpu.memory_space<vmem>>[vector<16xi32>], vector<16xi32>,
    %swap3A_352 = arith.constant 320 : index
    %swap3A_353 = tpu.vector_load %arg6[%swap3A_352] {strides = array<i32>} : memref<416xi32, #tpu.memory_space<vmem>>, vector<16xi32>,
    tpu.vector_store %arg6[%swap3A_352], %add3A_351 {strides = array<i32>} : memref<416xi32, #tpu.memory_space<vmem>>, vector<16xi32>,
    %mul3A_354 = arith.constant 26 : i32
    %mul3A_355 = vector.broadcast %mul3A_354 : i32 to vector<16xi32>
    %mul3A_356 = arith.muli %iota3A, %mul3A_355 : vector<16xi32>
    %add3A_357 = arith.constant 21 : i32
    %add3A_358 = vector.broadcast %add3A_357 : i32 to vector<16xi32>
    %add3A_359 = arith.addi %mul3A_356, %add3A_358 : vector<16xi32>
    %gather3A_360 = tpu.vector_load_idx %arg4[%add3A_359] : memref<416xi32, #tpu.memory_space<vmem>>[vector<16xi32>], vector<16xi32>,
    %mul3A_361 = arith.constant 2600 : i32
    %mul3A_362 = vector.broadcast %mul3A_361 : i32 to vector<16xi32>
    %mul3A_363 = arith.muli %iota3A, %mul3A_362 : vector<16xi32>
    %add3A_364 = arith.constant 2100 : i32
    %add3A_365 = vector.broadcast %add3A_364 : i32 to vector<16xi32>
    %add3A_366 = arith.addi %add3A_365, %gather3A_360 : vector<16xi32>
    %add3A_367 = arith.addi %mul3A_363, %add3A_366 : vector<16xi32>
    tpu.vector_store_idx %arg8[%add3A_367], %broadcast_in_dim3A_5 : memref<41600xi32, #tpu.memory_space<vmem>>[vector<16xi32>], vector<16xi32>,
    %swap3A_368 = arith.constant 336 : index
    %swap3A_369 = tpu.vector_load %arg6[%swap3A_368] {strides = array<i32>} : memref<416xi32, #tpu.memory_space<vmem>>, vector<16xi32>,
    tpu.vector_store %arg6[%swap3A_368], %add3A_367 {strides = array<i32>} : memref<416xi32, #tpu.memory_space<vmem>>, vector<16xi32>,
    %mul3A_370 = arith.constant 26 : i32
    %mul3A_371 = vector.broadcast %mul3A_370 : i32 to vector<16xi32>
    %mul3A_372 = arith.muli %iota3A, %mul3A_371 : vector<16xi32>
    %add3A_373 = arith.constant 22 : i32
    %add3A_374 = vector.broadcast %add3A_373 : i32 to vector<16xi32>
    %add3A_375 = arith.addi %mul3A_372, %add3A_374 : vector<16xi32>
    %gather3A_376 = tpu.vector_load_idx %arg4[%add3A_375] : memref<416xi32, #tpu.memory_space<vmem>>[vector<16xi32>], vector<16xi32>,
    %mul3A_377 = arith.constant 2600 : i32
    %mul3A_378 = vector.broadcast %mul3A_377 : i32 to vector<16xi32>
    %mul3A_379 = arith.muli %iota3A, %mul3A_378 : vector<16xi32>
    %add3A_380 = arith.constant 2200 : i32
    %add3A_381 = vector.broadcast %add3A_380 : i32 to vector<16xi32>
    %add3A_382 = arith.addi %add3A_381, %gather3A_376 : vector<16xi32>
    %add3A_383 = arith.addi %mul3A_379, %add3A_382 : vector<16xi32>
    tpu.vector_store_idx %arg8[%add3A_383], %broadcast_in_dim3A_5 : memref<41600xi32, #tpu.memory_space<vmem>>[vector<16xi32>], vector<16xi32>,
    %swap3A_384 = arith.constant 352 : index
    %swap3A_385 = tpu.vector_load %arg6[%swap3A_384] {strides = array<i32>} : memref<416xi32, #tpu.memory_space<vmem>>, vector<16xi32>,
    tpu.vector_store %arg6[%swap3A_384], %add3A_383 {strides = array<i32>} : memref<416xi32, #tpu.memory_space<vmem>>, vector<16xi32>,
    %mul3A_386 = arith.constant 26 : i32
    %mul3A_387 = vector.broadcast %mul3A_386 : i32 to vector<16xi32>
    %mul3A_388 = arith.muli %iota3A, %mul3A_387 : vector<16xi32>
    %add3A_389 = arith.constant 23 : i32
    %add3A_390 = vector.broadcast %add3A_389 : i32 to vector<16xi32>
    %add3A_391 = arith.addi %mul3A_388, %add3A_390 : vector<16xi32>
    %gather3A_392 = tpu.vector_load_idx %arg4[%add3A_391] : memref<416xi32, #tpu.memory_space<vmem>>[vector<16xi32>], vector<16xi32>,
    %mul3A_393 = arith.constant 2600 : i32
    %mul3A_394 = vector.broadcast %mul3A_393 : i32 to vector<16xi32>
    %mul3A_395 = arith.muli %iota3A, %mul3A_394 : vector<16xi32>
    %add3A_396 = arith.constant 2300 : i32
    %add3A_397 = vector.broadcast %add3A_396 : i32 to vector<16xi32>
    %add3A_398 = arith.addi %add3A_397, %gather3A_392 : vector<16xi32>
    %add3A_399 = arith.addi %mul3A_395, %add3A_398 : vector<16xi32>
    tpu.vector_store_idx %arg8[%add3A_399], %broadcast_in_dim3A_5 : memref<41600xi32, #tpu.memory_space<vmem>>[vector<16xi32>], vector<16xi32>,
    %swap3A_400 = arith.constant 368 : index
    %swap3A_401 = tpu.vector_load %arg6[%swap3A_400] {strides = array<i32>} : memref<416xi32, #tpu.memory_space<vmem>>, vector<16xi32>,
    tpu.vector_store %arg6[%swap3A_400], %add3A_399 {strides = array<i32>} : memref<416xi32, #tpu.memory_space<vmem>>, vector<16xi32>,
    %mul3A_402 = arith.constant 26 : i32
    %mul3A_403 = vector.broadcast %mul3A_402 : i32 to vector<16xi32>
    %mul3A_404 = arith.muli %iota3A, %mul3A_403 : vector<16xi32>
    %add3A_405 = arith.constant 24 : i32
    %add3A_406 = vector.broadcast %add3A_405 : i32 to vector<16xi32>
    %add3A_407 = arith.addi %mul3A_404, %add3A_406 : vector<16xi32>
    %gather3A_408 = tpu.vector_load_idx %arg4[%add3A_407] : memref<416xi32, #tpu.memory_space<vmem>>[vector<16xi32>], vector<16xi32>,
    %mul3A_409 = arith.constant 2600 : i32
    %mul3A_410 = vector.broadcast %mul3A_409 : i32 to vector<16xi32>
    %mul3A_411 = arith.muli %iota3A, %mul3A_410 : vector<16xi32>
    %add3A_412 = arith.constant 2400 : i32
    %add3A_413 = vector.broadcast %add3A_412 : i32 to vector<16xi32>
    %add3A_414 = arith.addi %add3A_413, %gather3A_408 : vector<16xi32>
    %add3A_415 = arith.addi %mul3A_411, %add3A_414 : vector<16xi32>
    tpu.vector_store_idx %arg8[%add3A_415], %broadcast_in_dim3A_5 : memref<41600xi32, #tpu.memory_space<vmem>>[vector<16xi32>], vector<16xi32>,
    %swap3A_416 = arith.constant 384 : index
    %swap3A_417 = tpu.vector_load %arg6[%swap3A_416] {strides = array<i32>} : memref<416xi32, #tpu.memory_space<vmem>>, vector<16xi32>,
    tpu.vector_store %arg6[%swap3A_416], %add3A_415 {strides = array<i32>} : memref<416xi32, #tpu.memory_space<vmem>>, vector<16xi32>,
    %mul3A_418 = arith.constant 26 : i32
    %mul3A_419 = vector.broadcast %mul3A_418 : i32 to vector<16xi32>
    %mul3A_420 = arith.muli %iota3A, %mul3A_419 : vector<16xi32>
    %add3A_421 = arith.constant 25 : i32
    %add3A_422 = vector.broadcast %add3A_421 : i32 to vector<16xi32>
    %add3A_423 = arith.addi %mul3A_420, %add3A_422 : vector<16xi32>
    %gather3A_424 = tpu.vector_load_idx %arg4[%add3A_423] : memref<416xi32, #tpu.memory_space<vmem>>[vector<16xi32>], vector<16xi32>,
    %mul3A_425 = arith.constant 2600 : i32
    %mul3A_426 = vector.broadcast %mul3A_425 : i32 to vector<16xi32>
    %mul3A_427 = arith.muli %iota3A, %mul3A_426 : vector<16xi32>
    %add3A_428 = arith.constant 2500 : i32
    %add3A_429 = vector.broadcast %add3A_428 : i32 to vector<16xi32>
    %add3A_430 = arith.addi %add3A_429, %gather3A_424 : vector<16xi32>
    %add3A_431 = arith.addi %mul3A_427, %add3A_430 : vector<16xi32>
    tpu.vector_store_idx %arg8[%add3A_431], %broadcast_in_dim3A_5 : memref<41600xi32, #tpu.memory_space<vmem>>[vector<16xi32>], vector<16xi32>,
    %swap3A_432 = arith.constant 400 : index
    %swap3A_433 = tpu.vector_load %arg6[%swap3A_432] {strides = array<i32>} : memref<416xi32, #tpu.memory_space<vmem>>, vector<16xi32>,
    tpu.vector_store %arg6[%swap3A_432], %add3A_431 {strides = array<i32>} : memref<416xi32, #tpu.memory_space<vmem>>, vector<16xi32>,
    %add3A_434 = arith.constant 0 : i32
    %add3A_435 = arith.addi %mul3A_2, %add3A_434 : i32
    %mul3A_436 = arith.constant 41600 : i32
    %mul3A_437 = arith.muli %add3A_435, %mul3A_436 : i32
    %dma_start3A_438 = tpu.memref_slice %arg3[%mul3A_437] : memref<1331200xi32, #tpu.memory_space<hbm>> -> memref<41600xi32, #tpu.memory_space<hbm>>
    %dma_start3A_439 = tpu.memref_slice %arg3[%mul3A_437] : memref<1331200xi32, #tpu.memory_space<hbm>> -> memref<41600xi32, #tpu.memory_space<hbm>>
    tpu.enqueue_dma source(%arg8 : memref<41600xi32, #tpu.memory_space<vmem>>) target(%dma_start3A_439 : memref<41600xi32, #tpu.memory_space<hbm>>) target_semaphore(%arg12 : memref<!tpu.dma_semaphore, #tpu.memory_space<semaphore_mem>>)
    %dma_wait3A_440 = arith.constant 0 : i32
    %dma_wait3A_441 = tpu.memref_slice %arg3[%dma_wait3A_440] : memref<1331200xi32, #tpu.memory_space<hbm>> -> memref<41600xi32, #tpu.memory_space<hbm>>
    %dma_wait3A_442 = arith.constant 0 : i32
    %dma_wait3A_443 = tpu.memref_slice %arg3[%dma_wait3A_442] : memref<1331200xi32, #tpu.memory_space<hbm>> -> memref<41600xi32, #tpu.memory_space<hbm>>
    tpu.wait_dma2 semaphore(%arg12 : memref<!tpu.dma_semaphore, #tpu.memory_space<semaphore_mem>>) src(%arg8 : memref<41600xi32, #tpu.memory_space<vmem>>) dst(%dma_wait3A_443 : memref<41600xi32, #tpu.memory_space<hbm>>)
    return
  }
}

module attributes {stable_mosaic.version = 14 : i64} {
  func.func @_onehot_block(%arg0: i32, %arg1: memref<512x26xi32, #tpu.memory_space<vmem>>, %arg2: memref<26x2600xf32, #tpu.memory_space<vmem>>, %arg3: memref<1x2600xf32, #tpu.memory_space<vmem>>, %arg4: memref<512x2600xi32, #tpu.memory_space<vmem>>) attributes {dimension_semantics = [#tpu.dimension_semantics<arbitrary>], iteration_bounds = array<i64: 31>, scalar_prefetch = 0 : i64, scratch_operands = 0 : i64, tpu.core_type = #tpu.core_type<tc>, window_params = [{transform_indices = @transform_0, window_bounds = array<i64: 512, 26>}, {pipeline_mode = #tpu.pipeline_mode<synchronous>, transform_indices = @transform_1, window_bounds = array<i64: 26, 2600>}, {pipeline_mode = #tpu.pipeline_mode<synchronous>, transform_indices = @transform_2, window_bounds = array<i64: 1, 2600>}, {transform_indices = @transform_3, window_bounds = array<i64: 512, 2600>}]} {
    %get3A = arith.constant 0 : index
    %get3A_0 = arith.constant 0 : index
    %get3A_1 = vector.load %arg1[%get3A, %get3A_0] : memref<512x26xi32, #tpu.memory_space<vmem>>, vector<512x26xi32>
    %convert_element_type3A = arith.sitofp %get3A_1 : vector<512x26xi32> to vector<512x26xf32>
    %get3A_2 = arith.constant 0 : index
    %get3A_3 = arith.constant 0 : index
    %get3A_4 = vector.load %arg2[%get3A_2, %get3A_3] : memref<26x2600xf32, #tpu.memory_space<vmem>>, vector<26x2600xf32>
    %dot_general3A = arith.constant dense<0.000000e+00> : vector<512x2600xf32>
    %dot_general3A_5 = tpu.matmul %convert_element_type3A, %get3A_4, %dot_general3A {dimension_numbers = #tpu.dot_dimension_numbers<[1], [0], [0], [1], [0, 0, 1, 1], [], []>, transpose_lhs_hint = false} : vector<512x26xf32>, vector<26x2600xf32>, vector<512x2600xf32> -> vector<512x2600xf32>
    %get3A_6 = arith.constant 0 : index
    %get3A_7 = arith.constant 0 : index
    %get3A_8 = vector.load %arg3[%get3A_6, %get3A_7] : memref<1x2600xf32, #tpu.memory_space<vmem>>, vector<1x2600xf32>
    %eq3A = vector.broadcast %get3A_8 : vector<1x2600xf32> to vector<512x2600xf32>
    %eq3A_9 = arith.cmpf oeq, %dot_general3A_5, %eq3A : vector<512x2600xf32>
    %convert_element_type3A_10 = arith.extui %eq3A_9 : vector<512x2600xi1> to vector<512x2600xi32>
    %swap3A = arith.constant 0 : index
    %swap3A_11 = arith.constant 0 : index
    %swap3A_12 = vector.load %arg4[%swap3A, %swap3A_11] : memref<512x2600xi32, #tpu.memory_space<vmem>>, vector<512x2600xi32>
    tpu.vector_store %arg4[%swap3A, %swap3A_11], %convert_element_type3A_10 {strides = array<i32>} : memref<512x2600xi32, #tpu.memory_space<vmem>>, vector<512x2600xi32>,
    return
  }
  func.func @transform_0(%arg0: i32) -> (i32, i32) {
    %c0_i32 = arith.constant 0 : i32
    %c0_i32_0 = arith.constant 0 : i32
    return %arg0, %c0_i32 : i32, i32
  }
  func.func @transform_1(%arg0: i32) -> (i32, i32) {
    %c0_i32 = arith.constant 0 : i32
    %c0_i32_0 = arith.constant 0 : i32
    %c0_i32_1 = arith.constant 0 : i32
    return %c0_i32, %c0_i32_0 : i32, i32
  }
  func.func @transform_2(%arg0: i32) -> (i32, i32) {
    %c0_i32 = arith.constant 0 : i32
    %c0_i32_0 = arith.constant 0 : i32
    %c0_i32_1 = arith.constant 0 : i32
    return %c0_i32, %c0_i32_0 : i32, i32
  }
  func.func @transform_3(%arg0: i32) -> (i32, i32) {
    %c0_i32 = arith.constant 0 : i32
    %c0_i32_0 = arith.constant 0 : i32
    return %arg0, %c0_i32 : i32, i32
  }
}

</mosaic_0001>

<sc_bundles>
// kernel: kernel.4.cloned.1.call-start
scs
__scs_entry_jumppad:
0x0: {  	(pc) =	sbr.rel $0x88, $3  }
0x1: {  	(tag) =	ssettag $0x0;
	lr =	simm.s32 $0x1  }
0x2: {  	[smem:$0x3FA0] =	sst lr;
	_ =	strace $0xD0000000  }
0x3: {  	_ = 	snop  }
0x4: {  	_ = 	snop  }
0x5: {  	_ = 	snop  }
0x6: {  	_ = 	snop  }
0x7: {  	_ = 	snop  }
__scs_overlays_trampoline_lowered:
0x8: {  	[smem:$0x3FAF] =	sst s0  }
0x9: {  	[smem:$0x3FB0] =	sst s1  }
0xa: {  	[smem:$0x3FB1] =	sst s2  }
0xb: {  	[smem:$0x3FB2] =	sst s3  }
0xc: {  	[smem:$0x3FB3] =	sst s4  }
0xd: {  	[smem:$0x3FB4] =	sst s5  }
0xe: {  	[smem:$0x3FB5] =	sst s6  }
0xf: {  	[smem:$0x3FB6] =	sst s7  }
0x10: {  	[smem:$0x3FB7] =	sst s8  }
0x11: {  	[smem:$0x3FB8] =	sst s9;
	s0 =	simm.s32 @!p0 $0x0  }
0x12: {  	s1 =	sld [smem:$0x3F9E];
	s0 =	simm.s32 @p0 $0x1  }
0x13: {  	[smem:$0x3FB9] =	sst s0;
	s0 =	simm.s32 @!p1 $0x0  }
0x14: {  	s2 =	sld [smem:$0x3F9D];
	s0 =	simm.s32 @p1 $0x1  }
0x15: {  	[smem:$0x3FBA] =	sst s0;
	s0 =	simm.s32 @!p2 $0x0  }
0x16: {  	s3 =	sld [smem:$0x3FDB];
	s0 =	simm.s32 @p2 $0x1  }
0x17: {  	s4 =	simm.s32 $0x1BF5;
	[smem:$0x3FBC] =	sst s0  }
0x18: {  	s0 =	sld [smem:$0x3F9F];
	_ =	swait.ge [sflag:s4], $0x0  }
0x19: {  	s7 =	sld [smem:$0x3FA0]  }
0x1a: {  	s8 =	sadd.s32 $0xFFFFE003, lr  }
0x1b: {  	s9 =	sadd.s32 $0xFFFFFEF7, lr;
	s5 =	simm.s32 $0xFFFFFFFF;
	p2 =	slt.u32 s8, $0xFFFFF086  }
0x1c: {  	p1 =	slt.u32 s9, $0xF7A;
	s5 =	simm.s32 @!p2 $0x0  }
0x1d: {  	s5 =	simm.s32 @p1 $0x1;
	p0 =	seq.s32 s7, s2  }
0x1e: {  	s7 =	smul.u32 @!p0 $0xF7A, s2;
	p2 =	seq.s32 @!p0 s5, $0x0  }
0x1f: {  	s9 =	smul.u32 $0xF7A, s1;
	s8 =	simm.s32 @!p0 $0x1BF5;
	p2 =	por !p2, p0  }
0x20: {  	[sflag:s8] =	ssyncset.s32 @!p0 $0xFFFFF086;
	s6 =	sadd.s32 @!p0 s3, s7;
	s7 =	simm.s32 @!p0 $0x108  }
0x21: {  	s3 =	sadd.s32 s3, s9;
	s6 =	sadd.s32 @!p0 $0x88, s6;
	s7 =	simm.s32 @p2 $0x1082  }
0x22: {  	[simem:s7], [sflag:s8] =	dma.local @!p0 [hbm:s6], $0xF7A  }
0x23: {  	s9 =	sor.u32 $0xD0000000, s2;
	s6 =	simm.s32 $0x108;
	_ =	swait.ge @!p0 [sflag:s8], $0x0  }
0x24: {  	s3 =	sadd.s32 $0x88, s3;
	s6 =	simm.s32 @!p1 $0x1082;
	[sflag:s4] =	ssyncset.s32 $0xFFFFF086  }
0x25: {  	[simem:s6], [sflag:s4] =	dma.local [hbm:s3], $0xF7A  }
0x26: {  	[smem:$0x3FA0] =	sst s1;
	(tag) =	ssettag s2;
	_ =	strace s9  }
0x27: {  	s1 =	sld [smem:$0x3FB0]  }
0x28: {  	s2 =	sld [smem:$0x3FB1]  }
0x29: {  	s4 =	sld [smem:$0x3FB3]  }
0x2a: {  	p0 =	seq.s32 s5, $0x0;
	s5 =	sld [smem:$0x3FB4]  }
0x2b: {  	s6 =	sld [smem:$0x3FB5]  }
0x2c: {  	s7 =	sld [smem:$0x3FB6]  }
0x2d: {  	s3 =	simm.s32 $0x108;
	s8 =	sld [smem:$0x3FB7]  }
0x2e: {  	s3 =	simm.s32 @!p0 $0x1082;
	s9 =	sld [smem:$0x3FB8]  }
0x2f: {  	lr =	sadd.s32 s0, s3;
	s0 =	sld [smem:$0x3FAF]  }
0x30: {  	s3 =	sld [smem:$0x3FB2]  }
0x31: {  	[smem:$0x3FBB] =	sst s10  }
0x32: {  	s10 =	sld [smem:$0x3FB9];
	_ =	sdelay $0x3  }
0x33: {  	p0 =	seq.s32 s10, $0x1;
	s10 =	sld [smem:$0x3FBB];
	_ =	sdelay $0x3  }
0x34: {  	[smem:$0x3FBB] =	sst s10  }
0x35: {  	s10 =	sld [smem:$0x3FBA];
	_ =	sdelay $0x3  }
0x36: {  	p1 =	seq.s32 s10, $0x1;
	s10 =	sld [smem:$0x3FBB];
	_ =	sdelay $0x3  }
0x37: {  	[smem:$0x3FBB] =	sst s10  }
0x38: {  	s10 =	sld [smem:$0x3FBC]  }
0x39: {  	_ = 	snop;
	(pc) =	sbr.ind lr, $3  }
0x3a: {  	_ = 	snop  }
0x3b: {  	_ = 	snop  }
0x3c: {  	p2 =	seq.s32 s10, $0x1;
	s10 =	sld [smem:$0x3FBB]  }
0x3d: {  	_ =	shalt  }
0x3e: {  	_ =	shalt  }
0x3f: {  	_ =	shalt  }
0x40: {  	_ =	shalt  }
0x41: {  	_ =	shalt  }
0x42: {  	_ =	shalt  }
0x43: {  	_ =	shalt  }
0x44: {  	_ =	shalt  }
0x45: {  	_ =	shalt  }
0x46: {  	_ =	shalt  }
0x47: {  	_ =	shalt  }
0x48: {  	_ =	shalt  }
0x49: {  	_ =	shalt  }
0x4a: {  	_ =	shalt  }
0x4b: {  	_ =	shalt  }
0x4c: {  	_ =	shalt  }
0x4d: {  	_ =	shalt  }
0x4e: {  	_ =	shalt  }
0x4f: {  	_ =	shalt  }
0x50: {  	_ =	shalt  }
0x51: {  	_ =	shalt  }
0x52: {  	_ =	shalt  }
0x53: {  	_ =	shalt  }
0x54: {  	_ =	shalt  }
0x55: {  	_ =	shalt  }
0x56: {  	_ =	shalt  }
0x57: {  	_ =	shalt  }
0x58: {  	_ =	shalt  }
0x59: {  	_ =	shalt  }
0x5a: {  	_ =	shalt  }
0x5b: {  	_ =	shalt  }
0x5c: {  	_ =	shalt  }
0x5d: {  	_ =	shalt  }
0x5e: {  	_ =	shalt  }
0x5f: {  	_ =	shalt  }
0x60: {  	_ =	shalt  }
0x61: {  	_ =	shalt  }
0x62: {  	_ =	shalt  }
0x63: {  	_ =	shalt  }
0x64: {  	_ =	shalt  }
0x65: {  	_ =	shalt  }
0x66: {  	_ =	shalt  }
0x67: {  	_ =	shalt  }
0x68: {  	_ =	shalt  }
0x69: {  	_ =	shalt  }
0x6a: {  	_ =	shalt  }
0x6b: {  	_ =	shalt  }
0x6c: {  	_ =	shalt  }
0x6d: {  	_ =	shalt  }
0x6e: {  	_ =	shalt  }
0x6f: {  	_ =	shalt  }
0x70: {  	_ =	shalt  }
0x71: {  	_ =	shalt  }
0x72: {  	_ =	shalt  }
0x73: {  	_ =	shalt  }
0x74: {  	_ =	shalt  }
0x75: {  	_ =	shalt  }
0x76: {  	_ =	shalt  }
0x77: {  	_ =	shalt  }
0x78: {  	_ =	shalt  }
0x79: {  	_ =	shalt  }
0x7a: {  	_ =	shalt  }
0x7b: {  	_ =	shalt  }
0x7c: {  	_ =	shalt  }
0x7d: {  	_ =	shalt  }
0x7e: {  	_ =	shalt  }
0x7f: {  	_ =	shalt  }
0x80: {  	_ =	shalt  }
0x81: {  	_ =	shalt  }
0x82: {  	_ =	shalt  }
0x83: {  	_ =	shalt  }
0x84: {  	_ =	shalt  }
0x85: {  	_ =	shalt  }
0x86: {  	_ =	shalt  }
0x87: {  	_ =	shalt  }
.Lfunc_end0:
.L_simem_size_0:
called_computation.1_lowered:
.L_overlay_start_0:
0x88: {  	s2 =	sld [smem:$0x3FD9]  }
0x89: {  	s3 =	sld [smem:$0x3FFE];
	_ =	sdelay $0x1  }
0x8a: {  	s1 =	srdreg.scid  }
0x8b: {  	s0 =	sand.u32 $0x1, s1  }
0x8c: {  	s17 =	sshll.u32 s0, $0xA;
	s2 =	sadd.s32 s3, s2  }
0x8d: {  	s2 =	sadd.s32 s2, s17  }
0x8e: {  	[smem:$0x3FC7] =	sst s2  }
0x8f: {  	_ = 	snop  }
0x90: {  	s2 =	sld [smem:$0x3FD0];
	(tm) =	ssettm $0x1  }
0x91: {  	s18 =	sld [smem:$0x3FFB];
	_ =	sdelay $0x3  }
0x92: {  	_ =	strace s18  }
0x93: {  	s3 =	sld [smem:$0x3FFC];
	_ =	sdelay $0x3  }
0x94: {  	_ =	strace s3  }
0x95: {  	s3 =	sld [smem:$0x3FFD];
	_ =	sdelay $0x3  }
0x96: {  	_ =	strace s3  }
0x97: {  	_ =	strace $0x8FFFFFFF  }
0x98: {  	s19 =	sld [smem:$0x3FDB];
	_ =	sdelay $0x1  }
0x99: {  	s4 =	simm.s32 $_scs_section_size  }
0x9a: {  	s5 =	simm.s32 $_size__tile_overlayer_lowered;
	s6 =	simm.s32 $_tile_overlayer_lowered  }
0x9b: {  	s22 =	simm.s32 $0x1BFF;
	s21 =	sshll.u32 s6, $0x1;
	s3 =	sadd.s32 s4, s19  }
0x9c: {  	s7 =	simm.s32 $0x0;
	s20 =	sshll.u32 s5, $0x1;
	s5 =	sadd.s32 s21, s3  }
0x9d: {  	[timem:s7], [sflag:s22] =	dma.local [hbm:s5], s20  }
0x9e: {  	_ =	swait.ge [sflag:s22], s20  }
0x9f: {  	s4 =	ssub.s32 $0x0, s20;
	[sflag:s22] =	ssyncset.done $0x0  }
0xa0: {  	[sflag:s22] =	ssyncadd.s32 s4;
	_ =	sdelay $0x1  }
0xa1: {  	s23 =	simm.s32 $0x1B8B  }
0xa2: {  	_ =	swait.ge [sflag:s23], $0x1  }
0xa3: {  	[sflag:s23] =	ssyncset.done $0x0  }
0xa4: {  	s25 =	simm.s32 $0x1B8E;
	s24 =	sld [smem:$0x3FFE];
	[sflag:s23] =	ssyncadd.s32 $0xFFFFFFFF  }
0xa5: {  	s26 =	simm.s32 $execute0_lowered;
	[smem:$0x3FD2] =	sst s25  }
0xa6: {  	s5 =	sshll.u32 s26, $0x1;
	_ =	strace $0x80000046;
	[dreg:$0x1] =	wrdreg $0xFFFFFFFF  }
0xa7: {  	s28 =	simm.s32 $_size_execute0_lowered;
	s3 =	sadd.s32 s3, s5;
	[dreg:$0x0] =	wrdreg $0x0  }
0xa8: {  	s5 =	sshll.u32 s28, $0x1;
	[dreg:$0x2] =	wrdreg s3  }
0xa9: {  	[dreg:$0x3] =	wrdreg s5  }
0xaa: {  	[dreg:$0x4] =	wrdreg $0xC0  }
0xab: {  	_ =	task [dreg:s7], $0x5FFFF  }
0xac: {  	[dreg:$0x1] =	wrdreg $0xFFFFFFFF  }
0xad: {  	[dreg:$0x0] =	wrdreg $0x60  }
0xae: {  	[dreg:$0x2] =	wrdreg s24  }
0xaf: {  	[dreg:$0x3] =	wrdreg s2  }
0xb0: {  	[dreg:$0x4] =	wrdreg $0x9  }
0xb1: {  	_ =	task.clear_ibuf [dreg:s7], $0x5FFFF;
	_ =	strace $0x90000046  }
0xb2: {  	s29 =	simm.s32 $0x9;
	_ =	strace $0x80000048  }
0xb3: {  	_ =	swait.ge [sflag:s29], $0x1  }
0xb4: {  	[sflag:s29] =	ssyncadd.s32 $0xFFFFFFFF  }
0xb5: {  	_ =	strace $0x90000048  }
0xb6: {  	_ =	sfence  }
0xb7: {  	s30 =	sld [smem:$0x0];
	_ =	sdelay $0x2  }
0xb8: {  	s31 =	sshll.u32 s1, $0xD;
	s1 =	sshrl.u32 s1, $0x2  }
0xb9: {  	s3 =	sand.u32 $0x4000, s31;
	s1 =	sadd.s32 s1, s30  }
0xba: {  	s0 =	sor.u32 s3, s0;
	s1 =	sshll.u32 s1, $0x11  }
0xbb: {  	s0 =	sor.u32 s1, s0  }
0xbc: {  	s0 =	sadd.s32 $0x8F2B, s0  }
0xbd: {  	[sflag:s0] =	ssyncadd.remote.s32 $0x1  }
0xbe: {  	_ =	sfence.sel $0xFFFF  }
0xbf: {  	[dreg:$0x0] =	wrdreg $0xFFFFFFFF;
	(pc) =	sbr.abs _section_cstart, $3  }
0xc0: {  	[dreg:$0x1] =	wrdreg $0xFFFFFFFF  }
0xc1: {  	_ =	task.clear_ibuf [dreg:s7], $0x2FFFF;
	_ =	strace $0x9FFFFFFF  }
0xc2: {  	(tm) =	ssettm $0x7FFFFFFF  }
0xc3: {  	_ =	shalt  }
tec
execute0_lowered:
.L_overlay_start_1:
0x0: {  	(tag) =	ssettag $0x1  }
0x1: {  	v1 =	vlaneseq.u32  }
0x2: {  	v0 =	vmul.u32 $0x1A, v1;
	v1 =	vmul.u32 $0xA28, v1  }
0x3: {  	v2 =	vimm.s32 $0x0  }
0x4: {  	v3 =	vimm.s32 $0x1;
	v4 =	vor.u32 $0x1, v0;
	v5 =	vadd.s32 $0x64, v1  }
0x5: {  	v6 =	vadd.s32 $0x2, v0;
	v7 =	vadd.s32 $0xC8, v1;
	v8 =	vadd.s32 $0x3, v0  }
0x6: {  	v9 =	vadd.s32 $0x12C, v1;
	v10 =	vadd.s32 $0x4, v0;
	v11 =	vadd.s32 $0x190, v1  }
0x7: {  	v12 =	vadd.s32 $0x5, v0;
	v13 =	vadd.s32 $0x1F4, v1;
	v14 =	vadd.s32 $0x6, v0  }
0x8: {  	v15 =	vadd.s32 $0x258, v1;
	v16 =	vadd.s32 $0x7, v0;
	v17 =	vadd.s32 $0x2BC, v1  }
0x9: {  	v18 =	vadd.s32 $0x8, v0;
	v19 =	vadd.s32 $0x320, v1;
	v20 =	vadd.s32 $0x9, v0  }
0xa: {  	v21 =	vadd.s32 $0x384, v1;
	v22 =	vadd.s32 $0xA, v0;
	v23 =	vadd.s32 $0x3E8, v1  }
0xb: {  	v24 =	vadd.s32 $0xB, v0;
	v25 =	vadd.s32 $0x44C, v1;
	v26 =	vadd.s32 $0xC, v0  }
0xc: {  	s1 =	srdreg.scid;
	v27 =	vadd.s32 $0x4B0, v1;
	v28 =	vadd.s32 $0xD, v0;
	v29 =	vadd.s32 $0x514, v1  }
0xd: {  	s0 =	stileid.u32;
	s3 =	rddreg [dreg:$0x0];
	v30 =	vadd.s32 $0xE, v0;
	v31 =	vadd.s32 $0x578, v1;
	v32 =	vadd.s32 $0xF, v0  }
0xe: {  	s5 =	rddreg [dreg:$0x1];
	s4 =	sand.u32 $0x1, s1;
	s30 =	sshll.u32 s0, $0x1;
	v33 =	vadd.s32 $0x5DC, v1;
	v34 =	vadd.s32 $0x10, v0;
	v35 =	vadd.s32 $0x640, v1  }
0xf: {  	s2 =	simm.s32 $0x0;
	s8 =	simm.s32 $0x2;
	s6 =	sor.u32 s4, s30;
	v36 =	vadd.s32 $0x11, v0;
	v37 =	vadd.s32 $0x6A4, v1;
	v38 =	vadd.s32 $0x12, v0  }
0x10: {  	s9 =	simm.s32 $0x0;
	s1 =	rddreg [dreg:$0x2];
	s7 =	smul.u32 $0x34, s6;
	v39 =	vadd.s32 $0x708, v1;
	v40 =	vadd.s32 $0x13, v0;
	v41 =	vadd.s32 $0x76C, v1  }
0x11: {  	[smem:$0x7FF] =	sst s2;
	s4 =	ssub.s32 $0x2, s4;
	s6 =	smul.u32 $0x1450, s6;
	v42 =	vadd.s32 $0x14, v0;
	v43 =	vadd.s32 $0x7D0, v1;
	v44 =	vadd.s32 $0x15, v0  }
0x12: {  	_ =	strace $0x80000047;
	s31 =	sshrl.u32 s4, $0x1;
	v45 =	vadd.s32 $0x834, v1;
	v46 =	vadd.s32 $0x16, v0;
	v47 =	vadd.s32 $0x898, v1;
	s3 =	sadd.s32 s7, s3  }
0x13: {  	v48 =	vadd.s32 $0x17, v0;
	v49 =	vadd.s32 $0x8FC, v1;
	v50 =	vadd.s32 $0x18, v0;
	s7 =	ssub.s32 s4, s31;
	s4 =	sadd.s32 s5, s6;
	s6 =	simm.s32 $0x1  }
0x14: {  	v51 =	vadd.s32 $0x960, v1;
	v52 =	vadd.s32 $0x19, v0;
	v53 =	vadd.s32 $0x9C4, v1;
	s3 =	sadd.s32 $0xC00, s3;
	s5 =	smax.u32 s7, $0x1;
	s7 =	simm.s32 $0x400  }
.LBB2_1:
0x15: {  	[tilespmem:s2], [sflag:$0x1] =	stream.linear.gather [hbm4b:s3+s2], $0x1A0, $0x38;
	[tilespmem:$0xA680] =	vst v63  }
0x16: {  	s11 =	simm.s32 $0x100;
	s10 =	simm.s32 $0x0  }
.LBB2_2:
0x17: {  	p0 =	sne.s32 s11, $0x28900;
	[tilespmem:s10+$0x430] =	vst v2;
	s12 =	smov.u32 s11;
	s11 =	sadd.s32 $0x100, s11  }
.Ltmp0:
0x18: {  	[tilespmem:s10+$0x420] =	vst v2;
	(pc) =	sbr.rel @p0 .LBB2_2-.Ltmp0, $3  }
0x19: {  	[tilespmem:s10+$0x400] =	vst v2  }
0x1a: {  	[tilespmem:s10+$0x410] =	vst v2;
	_ =	sdelay $0x1  }
0x1b: {  	s10 =	sshra.s32 s12, $0x2  }
0x1c: {  	[tilespmem:s10+$0x430] =	vst v2  }
0x1d: {  	[tilespmem:s10+$0x420] =	vst v2  }
0x1e: {  	[tilespmem:s10+$0x400] =	vst v2  }
0x1f: {  	[tilespmem:s10+$0x410] =	vst v2  }
0x20: {  	_ =	swait.ge [sflag:s6], $0x1A0  }
0x21: {  	[sflag:s6] =	ssyncset.done $0x0  }
0x22: {  	[sflag:s6] =	ssyncadd.s32 $0xFFFFFE60  }
0x23: {  	v54 =	vld.idx.msk [tilespmem:v0+s2+$0x0], $0xffff;
	_ =	sdelay $0x4  }
0x24: {  	v54 =	vadd.s32 v1, v54;
	_ =	sdelay $0x4  }
0x25: {  	[tilespmem:v54+s7+$0x0] =	vst.idx.msk $0xffff, v3  }
0x26: {  	[tilespmem:$0x200] =	vst v54  }
0x27: {  	v54 =	vld.idx.msk [tilespmem:v4+s2+$0x0], $0xffff;
	_ =	sdelay $0x4  }
0x28: {  	v54 =	vadd.s32 v5, v54;
	_ =	sdelay $0x4  }
0x29: {  	[tilespmem:v54+s7+$0x0] =	vst.idx.msk $0xffff, v3  }
0x2a: {  	[tilespmem:$0x210] =	vst v54  }
0x2b: {  	v54 =	vld.idx.msk [tilespmem:v6+s2+$0x0], $0xffff;
	_ =	sdelay $0x4  }
0x2c: {  	v54 =	vadd.s32 v7, v54;
	_ =	sdelay $0x4  }
0x2d: {  	[tilespmem:v54+s7+$0x0] =	vst.idx.msk $0xffff, v3  }
0x2e: {  	[tilespmem:$0x220] =	vst v54  }
0x2f: {  	v54 =	vld.idx.msk [tilespmem:v8+s2+$0x0], $0xffff;
	_ =	sdelay $0x4  }
0x30: {  	v54 =	vadd.s32 v9, v54;
	_ =	sdelay $0x4  }
0x31: {  	[tilespmem:v54+s7+$0x0] =	vst.idx.msk $0xffff, v3  }
0x32: {  	[tilespmem:$0x230] =	vst v54  }
0x33: {  	v54 =	vld.idx.msk [tilespmem:v10+s2+$0x0], $0xffff;
	_ =	sdelay $0x4  }
0x34: {  	v54 =	vadd.s32 v11, v54;
	_ =	sdelay $0x4  }
0x35: {  	[tilespmem:v54+s7+$0x0] =	vst.idx.msk $0xffff, v3  }
0x36: {  	[tilespmem:$0x240] =	vst v54  }
0x37: {  	v54 =	vld.idx.msk [tilespmem:v12+s2+$0x0], $0xffff;
	_ =	sdelay $0x4  }
0x38: {  	v54 =	vadd.s32 v13, v54;
	_ =	sdelay $0x4  }
0x39: {  	[tilespmem:v54+s7+$0x0] =	vst.idx.msk $0xffff, v3  }
0x3a: {  	[tilespmem:$0x250] =	vst v54  }
0x3b: {  	v54 =	vld.idx.msk [tilespmem:v14+s2+$0x0], $0xffff;
	_ =	sdelay $0x4  }
0x3c: {  	v54 =	vadd.s32 v15, v54;
	_ =	sdelay $0x4  }
0x3d: {  	[tilespmem:v54+s7+$0x0] =	vst.idx.msk $0xffff, v3  }
0x3e: {  	[tilespmem:$0x260] =	vst v54  }
0x3f: {  	v54 =	vld.idx.msk [tilespmem:v16+s2+$0x0], $0xffff;
	_ =	sdelay $0x4  }
0x40: {  	v54 =	vadd.s32 v17, v54;
	_ =	sdelay $0x4  }
0x41: {  	[tilespmem:v54+s7+$0x0] =	vst.idx.msk $0xffff, v3  }
0x42: {  	[tilespmem:$0x270] =	vst v54  }
0x43: {  	v54 =	vld.idx.msk [tilespmem:v18+s2+$0x0], $0xffff;
	_ =	sdelay $0x4  }
0x44: {  	v54 =	vadd.s32 v19, v54;
	_ =	sdelay $0x4  }
0x45: {  	[tilespmem:v54+s7+$0x0] =	vst.idx.msk $0xffff, v3  }
0x46: {  	[tilespmem:$0x280] =	vst v54  }
0x47: {  	v54 =	vld.idx.msk [tilespmem:v20+s2+$0x0], $0xffff;
	_ =	sdelay $0x4  }
0x48: {  	v54 =	vadd.s32 v21, v54;
	_ =	sdelay $0x4  }
0x49: {  	[tilespmem:v54+s7+$0x0] =	vst.idx.msk $0xffff, v3  }
0x4a: {  	[tilespmem:$0x290] =	vst v54  }
0x4b: {  	v54 =	vld.idx.msk [tilespmem:v22+s2+$0x0], $0xffff;
	_ =	sdelay $0x4  }
0x4c: {  	v54 =	vadd.s32 v23, v54;
	_ =	sdelay $0x4  }
0x4d: {  	[tilespmem:v54+s7+$0x0] =	vst.idx.msk $0xffff, v3  }
0x4e: {  	[tilespmem:$0x2A0] =	vst v54  }
0x4f: {  	v54 =	vld.idx.msk [tilespmem:v24+s2+$0x0], $0xffff;
	_ =	sdelay $0x4  }
0x50: {  	v54 =	vadd.s32 v25, v54;
	_ =	sdelay $0x4  }
0x51: {  	[tilespmem:v54+s7+$0x0] =	vst.idx.msk $0xffff, v3  }
0x52: {  	[tilespmem:$0x2B0] =	vst v54  }
0x53: {  	v54 =	vld.idx.msk [tilespmem:v26+s2+$0x0], $0xffff;
	_ =	sdelay $0x4  }
0x54: {  	v54 =	vadd.s32 v27, v54;
	_ =	sdelay $0x4  }
0x55: {  	[tilespmem:v54+s7+$0x0] =	vst.idx.msk $0xffff, v3  }
0x56: {  	[tilespmem:$0x2C0] =	vst v54  }
0x57: {  	v54 =	vld.idx.msk [tilespmem:v28+s2+$0x0], $0xffff;
	_ =	sdelay $0x4  }
0x58: {  	v54 =	vadd.s32 v29, v54;
	_ =	sdelay $0x4  }
0x59: {  	[tilespmem:v54+s7+$0x0] =	vst.idx.msk $0xffff, v3  }
0x5a: {  	[tilespmem:$0x2D0] =	vst v54  }
0x5b: {  	v54 =	vld.idx.msk [tilespmem:v30+s2+$0x0], $0xffff;
	_ =	sdelay $0x4  }
0x5c: {  	v54 =	vadd.s32 v31, v54;
	_ =	sdelay $0x4  }
0x5d: {  	[tilespmem:v54+s7+$0x0] =	vst.idx.msk $0xffff, v3  }
0x5e: {  	[tilespmem:$0x2E0] =	vst v54  }
0x5f: {  	v54 =	vld.idx.msk [tilespmem:v32+s2+$0x0], $0xffff;
	_ =	sdelay $0x4  }
0x60: {  	v54 =	vadd.s32 v33, v54;
	_ =	sdelay $0x4  }
0x61: {  	[tilespmem:v54+s7+$0x0] =	vst.idx.msk $0xffff, v3  }
0x62: {  	[tilespmem:$0x2F0] =	vst v54  }
0x63: {  	v54 =	vld.idx.msk [tilespmem:v34+s2+$0x0], $0xffff;
	_ =	sdelay $0x4  }
0x64: {  	v54 =	vadd.s32 v35, v54;
	_ =	sdelay $0x4  }
0x65: {  	[tilespmem:v54+s7+$0x0] =	vst.idx.msk $0xffff, v3  }
0x66: {  	[tilespmem:$0x300] =	vst v54  }
0x67: {  	v54 =	vld.idx.msk [tilespmem:v36+s2+$0x0], $0xffff;
	_ =	sdelay $0x4  }
0x68: {  	v54 =	vadd.s32 v37, v54;
	_ =	sdelay $0x4  }
0x69: {  	[tilespmem:v54+s7+$0x0] =	vst.idx.msk $0xffff, v3  }
0x6a: {  	[tilespmem:$0x310] =	vst v54  }
0x6b: {  	v54 =	vld.idx.msk [tilespmem:v38+s2+$0x0], $0xffff;
	_ =	sdelay $0x4  }
0x6c: {  	v54 =	vadd.s32 v39, v54;
	_ =	sdelay $0x4  }
0x6d: {  	[tilespmem:v54+s7+$0x0] =	vst.idx.msk $0xffff, v3  }
0x6e: {  	[tilespmem:$0x320] =	vst v54  }
0x6f: {  	v54 =	vld.idx.msk [tilespmem:v40+s2+$0x0], $0xffff;
	_ =	sdelay $0x4  }
0x70: {  	v54 =	vadd.s32 v41, v54;
	_ =	sdelay $0x4  }
0x71: {  	[tilespmem:v54+s7+$0x0] =	vst.idx.msk $0xffff, v3  }
0x72: {  	[tilespmem:$0x330] =	vst v54  }
0x73: {  	v54 =	vld.idx.msk [tilespmem:v42+s2+$0x0], $0xffff;
	_ =	sdelay $0x4  }
0x74: {  	v54 =	vadd.s32 v43, v54;
	_ =	sdelay $0x4  }
0x75: {  	[tilespmem:v54+s7+$0x0] =	vst.idx.msk $0xffff, v3  }
0x76: {  	[tilespmem:$0x340] =	vst v54  }
0x77: {  	v54 =	vld.idx.msk [tilespmem:v44+s2+$0x0], $0xffff;
	_ =	sdelay $0x4  }
0x78: {  	v54 =	vadd.s32 v45, v54;
	_ =	sdelay $0x4  }
0x79: {  	[tilespmem:v54+s7+$0x0] =	vst.idx.msk $0xffff, v3  }
0x7a: {  	[tilespmem:$0x350] =	vst v54  }
0x7b: {  	v54 =	vld.idx.msk [tilespmem:v46+s2+$0x0], $0xffff;
	_ =	sdelay $0x4  }
0x7c: {  	v54 =	vadd.s32 v47, v54;
	_ =	sdelay $0x4  }
0x7d: {  	[tilespmem:v54+s7+$0x0] =	vst.idx.msk $0xffff, v3  }
0x7e: {  	[tilespmem:$0x360] =	vst v54  }
0x7f: {  	v54 =	vld.idx.msk [tilespmem:v48+s2+$0x0], $0xffff;
	_ =	sdelay $0x4  }
0x80: {  	v54 =	vadd.s32 v49, v54;
	_ =	sdelay $0x4  }
0x81: {  	[tilespmem:v54+s7+$0x0] =	vst.idx.msk $0xffff, v3  }
0x82: {  	[tilespmem:$0x370] =	vst v54  }
0x83: {  	v54 =	vld.idx.msk [tilespmem:v50+s2+$0x0], $0xffff;
	_ =	sdelay $0x4  }
0x84: {  	v54 =	vadd.s32 v51, v54;
	_ =	sdelay $0x4  }
0x85: {  	[tilespmem:v54+s7+$0x0] =	vst.idx.msk $0xffff, v3  }
0x86: {  	[tilespmem:$0x380] =	vst v54  }
0x87: {  	v54 =	vld.idx.msk [tilespmem:v52+s2+$0x0], $0xffff;
	_ =	sdelay $0x4  }
0x88: {  	v54 =	vadd.s32 v53, v54;
	_ =	sdelay $0x3  }
0x89: {  	s9 =	sadd.s32 $0x1, s9  }
0x8a: {  	p0 =	sne.s32 s9, s5;
	[tilespmem:v54+s7+$0x0] =	vst.idx.msk $0xffff, v3  }
.Ltmp1:
0x8b: {  	[tilespmem:$0x390] =	vst v54;
	(pc) =	sbr.rel @p0 .LBB2_1-.Ltmp1, $4  }
0x8c: {  	[hbm4b:s4+s2] =	stream.linear.scatter [tilespmem:s7], [sflag:$0x2], $0xA280, $0x38;
	[tilespmem:$0xA680] =	vst v63  }
0x8d: {  	_ =	swait.ge [sflag:s8], $0xA280  }
0x8e: {  	[sflag:s8] =	ssyncset.done $0x0  }
0x8f: {  	[sflag:s8] =	ssyncadd.s32 $0xFFFF5D80  }
0x90: {  	_ =	sfence.sel $0x180000  }
0x91: {  	[bflag:$0x0] =	sbarrier.arrive $0xFFFF  }
0x92: {  	p0 =	sne.s32 s0, $0x0;
	_ =	strace $0x90000047  }
0x93: {  	s0 =	sadd.s32 @!p0 $0x100000, s1;
	[bflag:$0x2] =	sbarrier.arrive $0xFFFF  }
0x94: {  	[sflag:s0] =	ssyncadd.tile.s32 @!p0 $0x1;
	_ =	shalt  }
.Lfunc_end2:
_tile_overlayer_lowered:
.L_overlay_start_2:
0x95: {  	(tag) =	ssettag $0x2  }
0x96: {  	s0 =	rddreg [dreg:$0x0];
	s2 =	stileid.u32  }
0x97: {  	s1 =	rddreg [dreg:$0x1];
	p0 =	sne.s32 s2, $0x0  }
0x98: {  	s3 =	rddreg [dreg:$0x2];
	[bflag:$0x3] =	sbarrier.arrive $0xFFFF;
	s2 =	simm.s32 @!p0 $0x1C03  }
0x99: {  	[timem:s3], [sflag:s2] =	dma.local @!p0 [hbm:s0], s1  }
0x9a: {  	s0 =	simm.s32 @!p0 $0x3  }
0x9b: {  	_ =	swait.ge @!p0 [sflag:s0], s1  }
0x9c: {  	s1 =	ssub.s32 @!p0 $0x0, s1;
	[sflag:s0] =	ssyncset.done @!p0 $0x0  }
0x9d: {  	[sflag:s0] =	ssyncadd.s32 @!p0 s1  }
0x9e: {  	[bflag:$0x3] =	sbarrier.arrive $0xFFFF  }
0x9f: {  	_ =	shalt  }

// kernel: sparse-core-data-format-call.cloned.1.call-start
scs
called_computation_lowered:
.L_overlay_start_0:
0x0: {  	s2 =	sld [smem:$0x3FD9]  }
0x1: {  	s3 =	sld [smem:$0x3FFE];
	_ =	sdelay $0x1  }
0x2: {  	s1 =	srdreg.scid  }
0x3: {  	s0 =	sand.u32 $0x1, s1  }
0x4: {  	s18 =	sshll.u32 s0, $0xA;
	s2 =	sadd.s32 s3, s2  }
0x5: {  	s2 =	sadd.s32 s2, s18  }
0x6: {  	[smem:$0x3FC7] =	sst s2  }
0x7: {  	_ = 	snop  }
0x8: {  	s2 =	sld [smem:$0x3FD0];
	(tm) =	ssettm $0x1  }
0x9: {  	s19 =	sld [smem:$0x3FFB];
	_ =	sdelay $0x3  }
0xa: {  	_ =	strace s19  }
0xb: {  	s3 =	sld [smem:$0x3FFC];
	_ =	sdelay $0x3  }
0xc: {  	_ =	strace s3  }
0xd: {  	s3 =	sld [smem:$0x3FFD];
	_ =	sdelay $0x3  }
0xe: {  	_ =	strace s3  }
0xf: {  	_ =	strace $0x8FFFFFFF  }
0x10: {  	s20 =	sld [smem:$0x3FDB];
	_ =	sdelay $0x1  }
0x11: {  	s4 =	simm.s32 $_scs_section_size  }
0x12: {  	s5 =	simm.s32 $_size__tile_overlayer_lowered;
	s6 =	simm.s32 $_tile_overlayer_lowered  }
0x13: {  	s23 =	simm.s32 $0x1BFF;
	s22 =	sshll.u32 s6, $0x1;
	s3 =	sadd.s32 s4, s20  }
0x14: {  	s7 =	simm.s32 $0x0;
	s21 =	sshll.u32 s5, $0x1;
	s5 =	sadd.s32 s22, s3  }
0x15: {  	[timem:s7], [sflag:s23] =	dma.local [hbm:s5], s21  }
0x16: {  	_ =	swait.ge [sflag:s23], s21  }
0x17: {  	s4 =	ssub.s32 $0x0, s21;
	[sflag:s23] =	ssyncset.done $0x0  }
0x18: {  	[sflag:s23] =	ssyncadd.s32 s4;
	_ =	sdelay $0x1  }
0x19: {  	s24 =	simm.s32 $0x1B8B  }
0x1a: {  	_ =	swait.ge [sflag:s24], $0x1  }
0x1b: {  	[sflag:s24] =	ssyncset.done $0x0  }
0x1c: {  	s26 =	simm.s32 $0x1B8E;
	s25 =	sld [smem:$0x3FFE];
	[sflag:s24] =	ssyncadd.s32 $0xFFFFFFFF  }
0x1d: {  	s27 =	simm.s32 $execute0_lowered;
	[smem:$0x3FD2] =	sst s26  }
0x1e: {  	s5 =	sshll.u32 s27, $0x1;
	_ =	strace $0x80000049;
	[dreg:$0x1] =	wrdreg $0xFFFFFFFF  }
0x1f: {  	s28 =	simm.s32 $_size_execute0_lowered;
	s3 =	sadd.s32 s3, s5;
	[dreg:$0x0] =	wrdreg $0x0  }
0x20: {  	s5 =	sshll.u32 s28, $0x1;
	[dreg:$0x2] =	wrdreg s3  }
0x21: {  	[dreg:$0x3] =	wrdreg s5  }
0x22: {  	[dreg:$0x4] =	wrdreg $0xC0  }
0x23: {  	_ =	task [dreg:s7], $0x5FFFF  }
0x24: {  	[dreg:$0x1] =	wrdreg $0xFFFFFFFF  }
0x25: {  	[dreg:$0x0] =	wrdreg $0x60  }
0x26: {  	[dreg:$0x2] =	wrdreg s25  }
0x27: {  	[dreg:$0x3] =	wrdreg s2  }
0x28: {  	[dreg:$0x4] =	wrdreg $0x9  }
0x29: {  	_ =	task.clear_ibuf [dreg:s7], $0x5FFFF;
	_ =	strace $0x90000049  }
0x2a: {  	s29 =	simm.s32 $0x9;
	_ =	strace $0x8000004B  }
0x2b: {  	_ =	swait.ge [sflag:s29], $0x1  }
0x2c: {  	[sflag:s29] =	ssyncadd.s32 $0xFFFFFFFF  }
0x2d: {  	_ =	strace $0x9000004B  }
0x2e: {  	_ =	sfence  }
0x2f: {  	s30 =	sld [smem:$0x0];
	_ =	sdelay $0x2  }
0x30: {  	s31 =	sshll.u32 s1, $0xD;
	s1 =	sshrl.u32 s1, $0x2  }
0x31: {  	s3 =	sand.u32 $0x4000, s31;
	s1 =	sadd.s32 s1, s30  }
0x32: {  	s0 =	sor.u32 s3, s0;
	s1 =	sshll.u32 s1, $0x11  }
0x33: {  	s0 =	sor.u32 s1, s0  }
0x34: {  	s0 =	sadd.s32 $0x8F2B, s0  }
0x35: {  	[sflag:s0] =	ssyncadd.remote.s32 $0x1  }
0x36: {  	_ =	sfence.sel $0xFFFF  }
0x37: {  	[dreg:$0x0] =	wrdreg $0xFFFFFFFF;
	(pc) =	sbr.abs _section_cstart, $3  }
0x38: {  	[dreg:$0x1] =	wrdreg $0xFFFFFFFF  }
0x39: {  	_ =	task.clear_ibuf [dreg:s7], $0x2FFFF;
	_ =	strace $0x9FFFFFFF  }
0x3a: {  	(tm) =	ssettm $0x7FFFFFFF  }
0x3b: {  	_ =	shalt  }
tec
execute0_lowered:
.L_overlay_start_1:
0x0: {  	(tag) =	ssettag $0x1  }
0x1: {  	s0 =	srdreg.scid  }
0x2: {  	s1 =	sshll.u32 s0, $0x4  }
0x3: {  	s6 =	rddreg [dreg:$0x0];
	s0 =	stileid.u32;
	s1 =	sand.u32 $0x10, s1  }
0x4: {  	s3 =	rddreg [dreg:$0x1];
	s1 =	sor.u32 s0, s1  }
0x5: {  	s5 =	simm.s32 $0x1;
	s31 =	simm.s32 $0x2;
	s2 =	sshll.u32 s1, $0x7  }
0x6: {  	s15 =	simm.s32 $0x0;
	s8 =	simm.s32 $0x20000;
	s4 =	ssub.s32 $0x4000, s2  }
0x7: {  	s14 =	simm.s32 $0x0;
	s9 =	simm.s32 $0x0;
	s30 =	sand.u32 $0xF80, s4  }
0x8: {  	s10 =	simm.s32 $0x0;
	s11 =	simm.s32 $0x0;
	p0 =	sne.s32 s30, $0x0  }
.Ltmp0:
0x9: {  	s7 =	sshrl.u32 s4, $0xC;
	s5 =	simm.s32 @!p0 $0x0;
	(pc) =	sbr.rel .LBB1_1-.Ltmp0, $4  }
0xa: {  	s13 =	simm.s32 $0x0;
	s1 =	rddreg [dreg:$0x2];
	s5 =	sadd.s32 s5, s7  }
0xb: {  	_ =	strace $0x8000004A;
	s4 =	simm.s32 $0x1;
	s5 =	smul.u32 $0x15, s5  }
0xc: {  	s6 =	sadd.s32 $0x1400, s6;
	s12 =	smov.u32 s2;
	[sflag:s4] =	ssyncpa.u1 $0x0  }
0xd: {  	[sflag:s31] =	ssyncpa.u1 $0x0;
	p0 =	por $0x0, $0x0;
	s7 =	sadd.s32 $0x1, s5  }
.LBB1_4:
0xe: {  	s20 =	sshra.s32 s20, $0x2  }
0xf: {  	s28 =	sand.u32 $0x78, s10;
	s21 =	sshll.u32 s9, $0xE;
	s22 =	sshll.u32 s10, $0x3  }
0x10: {  	s24 =	sshll.u32 s9, $0x7;
	p1 =	sgt.s32 s9, $0x9A8;
	s30 =	sshra.s32 s9, $0x1F  }
0x11: {  	s26 =	sshra.s32 s10, $0x1F;
	s19 =	sadd.s32 s20, s19;
	s21 =	sand.u32 $0xFFFE0000, s21  }
0x12: {  	v5 =	vld [tilespmem:s17+$0xFFFFFFD0];
	[tilespmem:s18+$0x2040 ss:$0x81] =	vst.msk $0xffff, v4;
	s23 =	sand.u32 $0xFFFFFC00, s22;
	s29 =	sand.u32 $0x380, s24;
	s22 =	sand.u32 $0x3C00, s22  }
0x13: {  	v58 =	vld [tilespmem:s17+$0xFFFFFFE0];
	[tilespmem:s18+$0x2850 ss:$0x81] =	vst.msk $0xffff, v3;
	s21 =	sadd.s32 s23, s21;
	s20 =	sor.u32 s28, s22;
	s22 =	smov.u32 s9  }
0x14: {  	v59 =	vld [tilespmem:s17+$0xFFFFFFF0];
	[tilespmem:s18+$0x3060 ss:$0x81] =	vst.msk $0xffff, v2;
	s24 =	sand.u32 s30, s9;
	s21 =	sshrl.u32 s21, $0xE;
	s22 =	simm.s32 @!p1 $0x9A8  }
0x15: {  	v60 =	vld [tilespmem:s17+$0x0];
	[tilespmem:s18+$0x0 ss:$0x81] =	vst.msk $0xffff, v1;
	p1 =	sgt.s32 s10, $0x3F80;
	s31 =	ssub.s32 s22, s24;
	s22 =	smov.u32 s10  }
0x16: {  	v61 =	vld [tilespmem:s17+$0x10];
	[tilespmem:s19+$0x3870 ss:$0x81] =	vst.msk $0xffff, v0;
	s25 =	smulhi.u32 $0x1934C7, s21;
	s24 =	sand.u32 s26, s10;
	s22 =	simm.s32 @!p1 $0x3F80  }
0x17: {  	v62 =	vld [tilespmem:s17+$0x20];
	s20 =	sor.u32 s29, s20;
	[tilespmem:s19+$0x810 ss:$0x81] =	vst.msk $0xffff, v5;
	s27 =	sadd.s32 $0xFFFFF658, s31;
	s22 =	ssub.s32 s22, s24  }
0x18: {  	v63 =	vld [tilespmem:s17+$0xFFFFFFC0];
	[tilespmem:s19+$0x1020 ss:$0x81] =	vst.msk $0xffff, v58;
	s18 =	ssub.s32 $0xA28, s31;
	s28 =	smul.u32 $0xA28, s25;
	s29 =	sadd.s32 $0xFFFFC080, s22  }
0x19: {  	[tilespmem:s19+$0x1830 ss:$0x81] =	vst.msk $0xffff, v59;
	p1 =	sgt.s32 s27, $0x7F;
	s22 =	ssub.s32 $0x4000, s22;
	p2 =	sgt.s32 s29, $0x7F  }
0x1a: {  	s30 =	sand.u32 $0x7, s10;
	[tilespmem:s19+$0x2040 ss:$0x81] =	vst.msk $0xffff, v60;
	s18 =	simm.s32 @p1 $0x0;
	s22 =	simm.s32 @p2 $0x0  }
0x1b: {  	s20 =	sshrl.u32 s20, $0x3;
	[tilespmem:s19+$0x2850 ss:$0x81] =	vst.msk $0xffff, v61;
	s17 =	ssub.s32 s21, s28;
	s18 =	smul.u32 s22, s18  }
0x1c: {  	[tilespmem:s19+$0x3060 ss:$0x81] =	vst.msk $0xffff, v62;
	s20 =	sadd.s32 s3, s20;
	s21 =	sshll.u32 s30, $0x12;
	s17 =	sshll.u32 s17, $0xB  }
0x1d: {  	[tilespmem:s19+$0x0 ss:$0x81] =	vst.msk $0xffff, v63;
	s31 =	sor.u32 $0x400, s21;
	s17 =	sadd.s32 s17, s20;
	s18 =	sand.u32 $0x3FFFFFFF, s18  }
0x1e: {  	[hbm4b:s17+s31] =	stream.strided.scatter [tilespmem:s16], [sflag:$0x2], s18, s8, s31, $0x20;
	[tilespmem:$0x10100] =	vst v63  }
.LBB1_5:
0x1f: {  	p1 =	slt.u32 s13, $0x2  }
0x20: {  	s17 =	smov.u32 s15;
	p2 =	sgt.s32 @!p1 s15, $0x9A8;
	s16 =	sshra.s32 @!p1 s15, $0x1F  }
0x21: {  	p3 =	sgt.s32 @!p1 s14, $0x3F80;
	s18 =	sshra.s32 @!p1 s14, $0x1F;
	p2 =	por !p2, p1  }
0x22: {  	s15 =	sand.u32 @!p1 s16, s15;
	p3 =	por !p3, p1;
	s16 =	smov.u32 s14  }
0x23: {  	s14 =	sand.u32 @!p1 s18, s14;
	s17 =	simm.s32 @p2 $0x9A8;
	s16 =	simm.s32 @p3 $0x3F80  }
0x24: {  	s15 =	ssub.s32 @!p1 s17, s15;
	s14 =	ssub.s32 @!p1 s16, s14  }
0x25: {  	s18 =	smov.u32 s12;
	s16 =	sadd.s32 @!p1 $0xFFFFF658, s15;
	s17 =	sadd.s32 @!p1 $0xFFFFC080, s14  }
0x26: {  	s15 =	ssub.s32 @!p1 $0xA28, s15;
	p2 =	sgt.s32 @!p1 s16, $0x7F;
	p3 =	sgt.s32 @!p1 s17, $0x7F  }
0x27: {  	s14 =	ssub.s32 @!p1 $0x4000, s14;
	p2 =	por !p2, p1;
	p3 =	por !p3, p1  }
0x28: {  	s16 =	sadd.s32 $0x80, s11;
	s15 =	simm.s32 @!p2 $0x0;
	s14 =	simm.s32 @!p3 $0x0  }
0x29: {  	p2 =	sgt.s32 s16, $0xA27;
	s14 =	smul.u32 @!p1 s14, s15;
	s15 =	sadd.s32 $0x1000, s12  }
0x2a: {  	s18 =	smov.u32 @p2 s15  }
0x2b: {  	s16 =	simm.s32 @p2 $0x0;
	p2 =	sgt.s32 s18, $0x3FFF  }
0x2c: {  	s18 =	smov.u32 @p2 s2;
	p2 =	sne.s32 s13, s7  }
.Ltmp1:
0x2d: {  	p0 =	por !p0, !p0;
	s17 =	simm.s32 @!p1 $0x2;
	(pc) =	sbr.rel @!p2 .LBB1_6-.Ltmp1, $4  }
0x2e: {  	s15 =	smov.u32 s9;
	s9 =	smov.u32 s11;
	s14 =	sand.u32 @!p1 $0x3FFFFFFF, s14  }
0x2f: {  	s11 =	smov.u32 s16;
	_ =	swait.ge @!p1 [sflag:s17], s14;
	s19 =	ssub.s32 @!p1 $0x0, s14  }
0x30: {  	s14 =	smov.u32 s10;
	s13 =	sadd.s32 $0x1, s13;
	[sflag:s17] =	ssyncset.done @!p1 $0x0  }
0x31: {  	s10 =	smov.u32 s12;
	s12 =	smov.u32 s18;
	[sflag:s17] =	ssyncadd.s32 @!p1 s19  }
.LBB1_1:
0x32: {  	p1 =	sge.u32 s13, s5  }
0x33: {  	s16 =	sshrl.u32 @!p1 s12, $0x3  }
0x34: {  	s17 =	sshll.u32 @!p1 s11, $0x3;
	s16 =	smul.u32 @!p1 $0x5400, s16  }
0x35: {  	s18 =	sshll.u32 @!p1 s12, $0x7;
	s17 =	sand.u32 @!p1 $0xFFFFFC00, s17  }
0x36: {  	s16 =	sadd.s32 @!p1 s16, s17;
	s17 =	sand.u32 @!p1 $0x380, s18  }
0x37: {  	s16 =	sor.u32 @!p1 s17, s16  }
0x38: {  	s17 =	sshrl.u32 @!p1 s16, $0x7  }
0x39: {  	s17 =	smulhi.u32 @!p1 $0xC30C30D, s17;
	_ =	sdelay $0x1  }
0x3a: {  	s18 =	sand.u32 @!p1 $0x7F, s11;
	s19 =	smul.u32 @!p1 $0xA80, s17  }
0x3b: {  	s31 =	sadd.s32 $0xFFFFFFFF, s13;
	s16 =	sor.u32 @!p1 s18, s16;
	s18 =	sxor.u32 @!p1 $0xFFFFFFFF, s13  }
0x3c: {  	s18 =	sshll.u32 @!p1 s18, $0xE;
	s17 =	sand.u32 @!p1 $0x3FFF, s17;
	s16 =	ssub.s32 @!p1 s16, s19  }
0x3d: {  	s17 =	smul.u32 @!p1 $0x150, s17;
	s19 =	sshrl.u32 @!p1 s16, $0x3;
	s16 =	sand.u32 @!p1 $0x7, s16  }
0x3e: {  	s18 =	sand.u32 @!p1 $0x4000, s18;
	s19 =	sadd.s32 @!p1 s6, s19;
	s16 =	sshll.u32 @!p1 s16, $0x12  }
0x3f: {  	s17 =	sadd.s32 @!p1 s17, s19;
	s16 =	sor.u32 @!p1 $0x400, s16;
	s19 =	simm.s32 @!p1 $0x5400  }
0x40: {  	[tilespmem:s18], [sflag:$0x1] =	stream.strided.gather @!p1 [hbm4b:s17+s16], $0x4000, s19, s16, $0x38;
	[tilespmem:$0x10100] =	vst v63  }
0x41: {  	p1 =	sge.u32 s31, s5  }
.Ltmp2:
0x42: {  	_ = 	snop;
	(pc) =	sbr.rel @p1 .LBB1_5-.Ltmp2, $1  }
0x43: {  	_ =	sdelay $0x3  }
0x44: {  	s16 =	simm.s32 $0x1  }
0x45: {  	_ =	swait.ge [sflag:s4], $0x4000;
	s16 =	simm.s32 @!p0 $0x0  }
0x46: {  	[sflag:s4] =	ssyncset.done $0x0;
	s17 =	sshll.u32 s16, $0xE  }
0x47: {  	[sflag:s4] =	ssyncadd.s32 $0xFFFFC000;
	s17 =	sor.u32 $0x40, s17  }
0x48: {  	s16 =	smul.u32 $0x10200, s16;
	v0 =	vld [tilespmem:s17+$0x30]  }
0x49: {  	v1 =	vld [tilespmem:s17+$0xFFFFFFD0]  }
0x4a: {  	s16 =	sshrl.u32 s16, $0x2;
	v5 =	vld [tilespmem:s17+$0xFFFFFFE0]  }
0x4b: {  	v6 =	vld [tilespmem:s17+$0xFFFFFFF0];
	s19 =	sor.u32 $0x8000, s16  }
0x4c: {  	s31 =	sand.u32 $0x1, s13;
	v4 =	vld [tilespmem:s17+$0x0];
	s18 =	sadd.s32 $0x0, s19  }
0x4d: {  	v3 =	vld [tilespmem:s17+$0x10];
	s16 =	smul.u32 $0x10200, s31;
	[tilespmem:s18+$0x3870 ss:$0x81] =	vst.msk $0xffff, v0  }
0x4e: {  	v2 =	vld [tilespmem:s17+$0x20];
	[tilespmem:s18+$0x810 ss:$0x81] =	vst.msk $0xffff, v1  }
0x4f: {  	s16 =	sshrl.u32 s16, $0x2;
	v1 =	vld [tilespmem:s17+$0xFFFFFFC0];
	[tilespmem:s18+$0x1020 ss:$0x81] =	vst.msk $0xffff, v5;
	s17 =	sadd.s32 $0x80, s17  }
0x50: {  	s20 =	simm.s32 $0x4;
	s21 =	simm.s32 $0x8;
	s16 =	sor.u32 $0x8000, s16;
	[tilespmem:s18+$0x1830 ss:$0x81] =	vst.msk $0xffff, v6;
	v0 =	vld [tilespmem:s17+$0x30]  }
.LBB1_3:
0x51: {  	p1 =	sne.s32 s21, $0x1FC;
	v5 =	vld [tilespmem:s17+$0xFFFFFFD0];
	[tilespmem:s18+$0x2040 ss:$0x81] =	vst.msk $0xffff, v4  }
0x52: {  	v6 =	vld [tilespmem:s17+$0xFFFFFFE0];
	[tilespmem:s18+$0x2850 ss:$0x81] =	vst.msk $0xffff, v3  }
0x53: {  	s22 =	sshra.s32 s20, $0x2;
	s20 =	smov.u32 s21;
	v7 =	vld [tilespmem:s17+$0xFFFFFFF0];
	[tilespmem:s18+$0x3060 ss:$0x81] =	vst.msk $0xffff, v2  }
.Ltmp3:
0x54: {  	v4 =	vld [tilespmem:s17+$0x0];
	[tilespmem:s18+$0x0 ss:$0x81] =	vst.msk $0xffff, v1;
	s18 =	sadd.s32 s22, s19;
	(pc) =	sbr.rel @p1 .LBB1_3-.Ltmp3, $4  }
0x55: {  	v3 =	vld [tilespmem:s17+$0x10];
	[tilespmem:s18+$0x3870 ss:$0x81] =	vst.msk $0xffff, v0  }
0x56: {  	[tilespmem:s18+$0x810 ss:$0x81] =	vst.msk $0xffff, v5;
	v2 =	vld [tilespmem:s17+$0x20]  }
0x57: {  	v1 =	vld [tilespmem:s17+$0xFFFFFFC0];
	[tilespmem:s18+$0x1020 ss:$0x81] =	vst.msk $0xffff, v6;
	s17 =	sadd.s32 $0x80, s17  }
0x58: {  	s21 =	sadd.s32 $0x4, s21;
	v0 =	vld [tilespmem:s17+$0x30];
	[tilespmem:s18+$0x1830 ss:$0x81] =	vst.msk $0xffff, v7  }
.Ltmp4:
0x59: {  	_ = 	snop;
	(pc) =	sbr.rel .LBB1_4-.Ltmp4, $1  }
0x5a: {  	_ =	sdelay $0x3  }
.LBB1_6:
0x5b: {  	_ =	sfence.sel $0x180000  }
0x5c: {  	s2 =	simm.s32 $0x1;
	[bflag:$0x0] =	sbarrier.arrive $0xFFFF  }
0x5d: {  	s31 =	simm.s32 $0x2;
	[sflag:s2] =	ssyncpa.u1 $0x1  }
0x5e: {  	[sflag:s31] =	ssyncpa.u1 $0x1  }
0x5f: {  	p0 =	sne.s32 s0, $0x0;
	_ =	strace $0x9000004A  }
0x60: {  	s0 =	sadd.s32 @!p0 $0x100000, s1;
	[bflag:$0x2] =	sbarrier.arrive $0xFFFF  }
0x61: {  	[sflag:s0] =	ssyncadd.tile.s32 @!p0 $0x1;
	_ =	shalt  }
.Lfunc_end1:
_tile_overlayer_lowered:
.L_overlay_start_2:
0x62: {  	(tag) =	ssettag $0x2  }
0x63: {  	s0 =	rddreg [dreg:$0x0];
	s2 =	stileid.u32  }
0x64: {  	s1 =	rddreg [dreg:$0x1];
	p0 =	sne.s32 s2, $0x0  }
0x65: {  	s3 =	rddreg [dreg:$0x2];
	[bflag:$0x3] =	sbarrier.arrive $0xFFFF;
	s2 =	simm.s32 @!p0 $0x1C01  }
0x66: {  	[timem:s3], [sflag:s2] =	dma.local @!p0 [hbm:s0], s1  }
0x67: {  	s0 =	simm.s32 @!p0 $0x1  }
0x68: {  	_ =	swait.ge @!p0 [sflag:s0], s1  }
0x69: {  	s1 =	ssub.s32 @!p0 $0x0, s1;
	[sflag:s0] =	ssyncset.done @!p0 $0x0  }
0x6a: {  	[sflag:s0] =	ssyncadd.s32 @!p0 s1  }
0x6b: {  	[bflag:$0x3] =	sbarrier.arrive $0xFFFF  }
0x6c: {  	_ =	shalt  }

</sc_bundles>
